<compile_context>
chip_gen: v7x
topology: tpu7x:2x2x1
jax: 0.10.2.dev20260603
libtpu: 0.0.44.dev20260713+nightly
codegen_flags: <defaults>
</compile_context>

<pallas_src>
import functools

import jax
import jax.numpy as jnp
from jax import lax
from jax.experimental import pallas as pl
from jax.experimental.pallas import tpu as pltpu
from jax.experimental.pallas import tpu_sc as plsc

D_MODEL = 1024
N_TOKENS = 4 * 4096
NUM_CORES = 2
NUM_SUBCORES = 16
NUM_WORKERS = NUM_CORES * NUM_SUBCORES
TOK_PER_WORKER = N_TOKENS // NUM_WORKERS
CHUNK = 16
NUM_CHUNKS = TOK_PER_WORKER // CHUNK
NBUF = 2
LANES = 16

_mesh = plsc.VectorSubcoreMesh(core_axis_name="c", subcore_axis_name="s")


def _splat(vec16, t):
    starts = jnp.full((LANES,), t, dtype=jnp.int32).reshape(LANES, 1)
    return lax.gather(
        vec16,
        starts,
        lax.GatherDimensionNumbers(
            offset_dims=(), collapsed_slice_dims=(0,), start_index_map=(0,)
        ),
        (1,),
        mode=lax.GatherScatterMode.PROMISE_IN_BOUNDS,
    )


@functools.partial(
    pl.kernel,
    mesh=_mesh,
    out_type=jax.ShapeDtypeStruct((N_TOKENS, D_MODEL), jnp.float32),
    scratch_types=[
        pltpu.VMEM((TOK_PER_WORKER,), jnp.int32),
        pltpu.VMEM((2, D_MODEL), jnp.float32),
        pltpu.VMEM((CHUNK * LANES,), jnp.int32),
        pltpu.VMEM((NBUF * CHUNK, D_MODEL), jnp.float32),
        pltpu.SemaphoreType.DMA,
    ],
)
def _embed(idx_hbm, table_hbm, out_hbm, idx_v, table_v, m_v, ring, sem):
    wid = lax.axis_index("s") * NUM_CORES + lax.axis_index("c")
    base = wid * TOK_PER_WORKER
    pltpu.sync_copy(idx_hbm.at[pl.ds(base, TOK_PER_WORKER)], idx_v)
    pltpu.sync_copy(table_hbm, table_v)

    def body(g, carry):
        buf = ring.at[pl.ds(lax.rem(g, NBUF) * CHUNK, CHUNK)]

        @pl.when(g >= NBUF)
        def _wait_prev():
            pltpu.make_async_copy(buf, out_hbm.at[pl.ds(0, CHUNK)], sem).wait()

        for h in range(CHUNK // LANES):
            ids16 = idx_v[pl.ds(g * CHUNK + h * LANES, LANES)]
            for t in range(LANES):
                m_v[pl.ds((h * LANES + t) * LANES, LANES)] = _splat(ids16, t)

        @plsc.parallel_loop(0, D_MODEL // LANES, unroll=4)
        def jbody(j):
            w0 = table_v[0, pl.ds(j * LANES, LANES)]
            w1 = table_v[1, pl.ds(j * LANES, LANES)]
            for t in range(CHUNK):
                sel = m_v[pl.ds(t * LANES, LANES)] != 0
                buf[t, pl.ds(j * LANES, LANES)] = jnp.where(sel, w1, w0)

        pltpu.async_copy(buf, out_hbm.at[pl.ds(base + g * CHUNK, CHUNK)], sem)
        return carry

    lax.fori_loop(0, NUM_CHUNKS, body, 0)
    for _ in range(NBUF):
        pltpu.make_async_copy(
            ring.at[pl.ds(0, CHUNK)], out_hbm.at[pl.ds(0, CHUNK)], sem
        ).wait()


def kernel(token_type_ids, W_token_type):
    out = _embed(token_type_ids.reshape(N_TOKENS), W_token_type)
    return out.reshape(token_type_ids.shape[0], token_type_ids.shape[1], D_MODEL)

# --- scband reference (transcript-rebuilt; emitter-appended) ---
"""Pipeline reference for scband-token-type-embed-41523743818152 (READ-ONLY COPY).

The authoritative reference and input builder live on the scoring server;
editing this copy changes nothing except your own understanding.
"""

import jax, jax.numpy as jnp
import numpy as np

D_MODEL = 1024
BATCH = 4
SEQ = 4096


def setup_inputs(seed: int = 0) -> dict:
    key = jax.random.key(seed)
    k1, k2 = jax.random.split(key)
    token_type_ids = jax.random.randint(k1, (BATCH, SEQ), 0, 2, dtype=jnp.int64 if jax.config.jax_enable_x64 else jnp.int32)
    W_token_type = jax.random.normal(k2, (2, D_MODEL), dtype=jnp.float32) * 0.02
    return {"token_type_ids": token_type_ids, "W_token_type": W_token_type}


def reference(token_type_ids, W_token_type):
    # Faithful translation of: self.W_token_type[token_type_ids, :]
    return jnp.take(W_token_type, token_type_ids, axis=0)

if __name__ == "__main__":
    import jax
    _d = setup_inputs()
    print(jax.jit(kernel)(*tuple(_d.values())))

</pallas_src>

<mosaic_0001>
#map = affine_map<(d0, d1) -> (0)>
#map1 = affine_map<(d0, d1) -> (0, 0)>
module attributes {stable_mosaic.version = 14 : i64} {
  func.func @_embed(%arg0: i32, %arg1: i32, %arg2: memref<16384xi32, #tpu.memory_space<hbm>>, %arg3: memref<2x1024xf32, #tpu.memory_space<hbm>>, %arg4: memref<16384x1024xf32, #tpu.memory_space<hbm>>, %arg5: memref<512xi32, #tpu.memory_space<vmem>>, %arg6: memref<2x1024xf32, #tpu.memory_space<vmem>>, %arg7: memref<256xi32, #tpu.memory_space<vmem>>, %arg8: memref<32x1024xf32, #tpu.memory_space<vmem>>, %arg9: memref<!tpu.dma_semaphore, #tpu.memory_space<semaphore_mem>>) attributes {dimension_semantics = [#tpu.dimension_semantics<core_parallel>, #tpu.dimension_semantics<subcore_parallel>], iteration_bounds = array<i64: 2, 16>, scalar_prefetch = 0 : i64, scratch_operands = 5 : i64, tpu.core_type = #tpu.core_type<sc_vector_subcore>, window_params = [{transform_indices = #map}, {transform_indices = #map1}, {transform_indices = #map1}]} {
    %mul3A = arith.constant 2 : i32
    %mul3A_0 = arith.muli %arg1, %mul3A : i32
    %add3A = arith.addi %mul3A_0, %arg0 : i32
    %mul3A_1 = arith.constant 512 : i32
    %mul3A_2 = arith.muli %add3A, %mul3A_1 : i32
    "tpu.region"() ({
      %run_scoped3A = tpu.sem_alloc : memref<!tpu.dma_semaphore, #tpu.memory_space<semaphore_mem>>
      %dma_start3A = tpu.memref_slice %arg2[%mul3A_2] : memref<16384xi32, #tpu.memory_space<hbm>> -> memref<512xi32, #tpu.memory_space<hbm>>
      %dma_start3A_31 = tpu.memref_slice %arg2[%mul3A_2] : memref<16384xi32, #tpu.memory_space<hbm>> -> memref<512xi32, #tpu.memory_space<hbm>>
      tpu.enqueue_dma source(%dma_start3A_31 : memref<512xi32, #tpu.memory_space<hbm>>) target(%arg5 : memref<512xi32, #tpu.memory_space<vmem>>) target_semaphore(%run_scoped3A : memref<!tpu.dma_semaphore, #tpu.memory_space<semaphore_mem>>)
      %dma_wait3A_32 = tpu.memref_slice %arg2[%mul3A_2] : memref<16384xi32, #tpu.memory_space<hbm>> -> memref<512xi32, #tpu.memory_space<hbm>>
      %dma_wait3A_33 = tpu.memref_slice %arg2[%mul3A_2] : memref<16384xi32, #tpu.memory_space<hbm>> -> memref<512xi32, #tpu.memory_space<hbm>>
      tpu.wait_dma2 semaphore(%run_scoped3A : memref<!tpu.dma_semaphore, #tpu.memory_space<semaphore_mem>>) src(%dma_wait3A_33 : memref<512xi32, #tpu.memory_space<hbm>>) dst(%arg5 : memref<512xi32, #tpu.memory_space<vmem>>)
      tpu.yield
    }) : () -> ()
    "tpu.region"() ({
      %run_scoped3A = tpu.sem_alloc : memref<!tpu.dma_semaphore, #tpu.memory_space<semaphore_mem>>
      tpu.enqueue_dma source(%arg3 : memref<2x1024xf32, #tpu.memory_space<hbm>>) target(%arg6 : memref<2x1024xf32, #tpu.memory_space<vmem>>) target_semaphore(%run_scoped3A : memref<!tpu.dma_semaphore, #tpu.memory_space<semaphore_mem>>)
      tpu.wait_dma2 semaphore(%run_scoped3A : memref<!tpu.dma_semaphore, #tpu.memory_space<semaphore_mem>>) src(%arg3 : memref<2x1024xf32, #tpu.memory_space<hbm>>) dst(%arg6 : memref<2x1024xf32, #tpu.memory_space<vmem>>)
      tpu.yield
    }) : () -> ()
    %scan3A = arith.constant 0 : i32
    %scan3A_3 = arith.constant 0 : i32
    %scan3A_4 = arith.constant 32 : i32
    %scan3A_5 = arith.addi %scan3A_3, %scan3A_4 : i32
    %scan3A_6 = arith.constant 1 : i32
    scf.for %scan3A_31 = %scan3A_3 to %scan3A_5 step %scan3A_6  : i32 {
      %rem3A = arith.constant 2 : i32
      %rem3A_32 = arith.remsi %scan3A_31, %rem3A : i32
      %mul3A_33 = arith.constant 16 : i32
      %mul3A_34 = arith.muli %rem3A_32, %mul3A_33 : i32
      %ge3A = arith.constant 2 : i32
      %ge3A_35 = arith.cmpi sge, %scan3A_31, %ge3A : i32
      %convert_element_type3A = arith.extui %ge3A_35 : i1 to i32
      %cond3A = arith.constant 0 : i32
      %cond3A_36 = arith.cmpi ne, %convert_element_type3A, %cond3A : i32
      scf.if %cond3A_36 {
        %dma_wait3A_195 = arith.constant 0 : i32
        %dma_wait3A_196 = tpu.memref_slice %arg8[%mul3A_34, %dma_wait3A_195] : memref<32x1024xf32, #tpu.memory_space<vmem>> -> memref<16x1024xf32, #tpu.memory_space<vmem>>
        %dma_wait3A_197 = arith.constant 0 : i32
        %dma_wait3A_198 = arith.constant 0 : i32
        %dma_wait3A_199 = tpu.memref_slice %arg4[%dma_wait3A_197, %dma_wait3A_198] : memref<16384x1024xf32, #tpu.memory_space<hbm>> -> memref<16x1024xf32, #tpu.memory_space<hbm>>
        %dma_wait3A_200 = arith.constant 0 : i32
        %dma_wait3A_201 = arith.constant 0 : i32
        %dma_wait3A_202 = tpu.memref_slice %arg4[%dma_wait3A_200, %dma_wait3A_201] : memref<16384x1024xf32, #tpu.memory_space<hbm>> -> memref<16x1024xf32, #tpu.memory_space<hbm>>
        %dma_wait3A_203 = arith.constant 0 : i32
        %dma_wait3A_204 = tpu.memref_slice %arg8[%mul3A_34, %dma_wait3A_203] : memref<32x1024xf32, #tpu.memory_space<vmem>> -> memref<16x1024xf32, #tpu.memory_space<vmem>>
        tpu.wait_dma2 semaphore(%arg9 : memref<!tpu.dma_semaphore, #tpu.memory_space<semaphore_mem>>) src(%dma_wait3A_204 : memref<16x1024xf32, #tpu.memory_space<vmem>>) dst(%dma_wait3A_202 : memref<16x1024xf32, #tpu.memory_space<hbm>>)
      } else {
      }
      %mul3A_37 = arith.constant 16 : i32
      %mul3A_38 = arith.muli %scan3A_31, %mul3A_37 : i32
      %add3A_39 = arith.constant 0 : i32
      %add3A_40 = arith.addi %mul3A_38, %add3A_39 : i32
      %get3A = arith.index_cast %add3A_40 : i32 to index
      %get3A_41 = tpu.vector_load %arg5[%get3A] {strides = array<i32>} : memref<512xi32, #tpu.memory_space<vmem>>, vector<16xi32>,
      %get3A_42 = vector.shape_cast %get3A_41 : vector<16xi32> to vector<16xi32>
      %broadcast_in_dim3A = arith.constant 0 : i32
      %broadcast_in_dim3A_43 = vector.broadcast %broadcast_in_dim3A : i32 to vector<16xi32>
      %reshape3A = vector.shape_cast %broadcast_in_dim3A_43 : vector<16xi32> to vector<16x1xi32>
      %gather3A = vector.shape_cast %reshape3A : vector<16x1xi32> to vector<16xi32>
      %gather3A_44 = tpu.dynamic_gather %get3A_42[%gather3A] in [0] : vector<16xi32>, vector<16xi32> -> vector<16xi32>
      %swap3A = arith.constant 0 : index
      %swap3A_45 = tpu.vector_load %arg7[%swap3A] {strides = array<i32>} : memref<256xi32, #tpu.memory_space<vmem>>, vector<16xi32>,
      %swap3A_46 = vector.shape_cast %swap3A_45 : vector<16xi32> to vector<16xi32>
      %swap3A_47 = vector.shape_cast %gather3A_44 : vector<16xi32> to vector<16xi32>
      tpu.vector_store %arg7[%swap3A], %swap3A_47 {strides = array<i32>} : memref<256xi32, #tpu.memory_space<vmem>>, vector<16xi32>,
      %broadcast_in_dim3A_48 = arith.constant 1 : i32
      %broadcast_in_dim3A_49 = vector.broadcast %broadcast_in_dim3A_48 : i32 to vector<16xi32>
      %reshape3A_50 = vector.shape_cast %broadcast_in_dim3A_49 : vector<16xi32> to vector<16x1xi32>
      %gather3A_51 = vector.shape_cast %reshape3A_50 : vector<16x1xi32> to vector<16xi32>
      %gather3A_52 = tpu.dynamic_gather %get3A_42[%gather3A_51] in [0] : vector<16xi32>, vector<16xi32> -> vector<16xi32>
      %swap3A_53 = arith.constant 16 : index
      %swap3A_54 = tpu.vector_load %arg7[%swap3A_53] {strides = array<i32>} : memref<256xi32, #tpu.memory_space<vmem>>, vector<16xi32>,
      %swap3A_55 = vector.shape_cast %swap3A_54 : vector<16xi32> to vector<16xi32>
      %swap3A_56 = vector.shape_cast %gather3A_52 : vector<16xi32> to vector<16xi32>
      tpu.vector_store %arg7[%swap3A_53], %swap3A_56 {strides = array<i32>} : memref<256xi32, #tpu.memory_space<vmem>>, vector<16xi32>,
      %broadcast_in_dim3A_57 = arith.constant 2 : i32
      %broadcast_in_dim3A_58 = vector.broadcast %broadcast_in_dim3A_57 : i32 to vector<16xi32>
      %reshape3A_59 = vector.shape_cast %broadcast_in_dim3A_58 : vector<16xi32> to vector<16x1xi32>
      %gather3A_60 = vector.shape_cast %reshape3A_59 : vector<16x1xi32> to vector<16xi32>
      %gather3A_61 = tpu.dynamic_gather %get3A_42[%gather3A_60] in [0] : vector<16xi32>, vector<16xi32> -> vector<16xi32>
      %swap3A_62 = arith.constant 32 : index
      %swap3A_63 = tpu.vector_load %arg7[%swap3A_62] {strides = array<i32>} : memref<256xi32, #tpu.memory_space<vmem>>, vector<16xi32>,
      %swap3A_64 = vector.shape_cast %swap3A_63 : vector<16xi32> to vector<16xi32>
      %swap3A_65 = vector.shape_cast %gather3A_61 : vector<16xi32> to vector<16xi32>
      tpu.vector_store %arg7[%swap3A_62], %swap3A_65 {strides = array<i32>} : memref<256xi32, #tpu.memory_space<vmem>>, vector<16xi32>,
      %broadcast_in_dim3A_66 = arith.constant 3 : i32
      %broadcast_in_dim3A_67 = vector.broadcast %broadcast_in_dim3A_66 : i32 to vector<16xi32>
      %reshape3A_68 = vector.shape_cast %broadcast_in_dim3A_67 : vector<16xi32> to vector<16x1xi32>
      %gather3A_69 = vector.shape_cast %reshape3A_68 : vector<16x1xi32> to vector<16xi32>
      %gather3A_70 = tpu.dynamic_gather %get3A_42[%gather3A_69] in [0] : vector<16xi32>, vector<16xi32> -> vector<16xi32>
      %swap3A_71 = arith.constant 48 : index
      %swap3A_72 = tpu.vector_load %arg7[%swap3A_71] {strides = array<i32>} : memref<256xi32, #tpu.memory_space<vmem>>, vector<16xi32>,
      %swap3A_73 = vector.shape_cast %swap3A_72 : vector<16xi32> to vector<16xi32>
      %swap3A_74 = vector.shape_cast %gather3A_70 : vector<16xi32> to vector<16xi32>
      tpu.vector_store %arg7[%swap3A_71], %swap3A_74 {strides = array<i32>} : memref<256xi32, #tpu.memory_space<vmem>>, vector<16xi32>,
      %broadcast_in_dim3A_75 = arith.constant 4 : i32
      %broadcast_in_dim3A_76 = vector.broadcast %broadcast_in_dim3A_75 : i32 to vector<16xi32>
      %reshape3A_77 = vector.shape_cast %broadcast_in_dim3A_76 : vector<16xi32> to vector<16x1xi32>
      %gather3A_78 = vector.shape_cast %reshape3A_77 : vector<16x1xi32> to vector<16xi32>
      %gather3A_79 = tpu.dynamic_gather %get3A_42[%gather3A_78] in [0] : vector<16xi32>, vector<16xi32> -> vector<16xi32>
      %swap3A_80 = arith.constant 64 : index
      %swap3A_81 = tpu.vector_load %arg7[%swap3A_80] {strides = array<i32>} : memref<256xi32, #tpu.memory_space<vmem>>, vector<16xi32>,
      %swap3A_82 = vector.shape_cast %swap3A_81 : vector<16xi32> to vector<16xi32>
      %swap3A_83 = vector.shape_cast %gather3A_79 : vector<16xi32> to vector<16xi32>
      tpu.vector_store %arg7[%swap3A_80], %swap3A_83 {strides = array<i32>} : memref<256xi32, #tpu.memory_space<vmem>>, vector<16xi32>,
      %broadcast_in_dim3A_84 = arith.constant 5 : i32
      %broadcast_in_dim3A_85 = vector.broadcast %broadcast_in_dim3A_84 : i32 to vector<16xi32>
      %reshape3A_86 = vector.shape_cast %broadcast_in_dim3A_85 : vector<16xi32> to vector<16x1xi32>
      %gather3A_87 = vector.shape_cast %reshape3A_86 : vector<16x1xi32> to vector<16xi32>
      %gather3A_88 = tpu.dynamic_gather %get3A_42[%gather3A_87] in [0] : vector<16xi32>, vector<16xi32> -> vector<16xi32>
      %swap3A_89 = arith.constant 80 : index
      %swap3A_90 = tpu.vector_load %arg7[%swap3A_89] {strides = array<i32>} : memref<256xi32, #tpu.memory_space<vmem>>, vector<16xi32>,
      %swap3A_91 = vector.shape_cast %swap3A_90 : vector<16xi32> to vector<16xi32>
      %swap3A_92 = vector.shape_cast %gather3A_88 : vector<16xi32> to vector<16xi32>
      tpu.vector_store %arg7[%swap3A_89], %swap3A_92 {strides = array<i32>} : memref<256xi32, #tpu.memory_space<vmem>>, vector<16xi32>,
      %broadcast_in_dim3A_93 = arith.constant 6 : i32
      %broadcast_in_dim3A_94 = vector.broadcast %broadcast_in_dim3A_93 : i32 to vector<16xi32>
      %reshape3A_95 = vector.shape_cast %broadcast_in_dim3A_94 : vector<16xi32> to vector<16x1xi32>
      %gather3A_96 = vector.shape_cast %reshape3A_95 : vector<16x1xi32> to vector<16xi32>
      %gather3A_97 = tpu.dynamic_gather %get3A_42[%gather3A_96] in [0] : vector<16xi32>, vector<16xi32> -> vector<16xi32>
      %swap3A_98 = arith.constant 96 : index
      %swap3A_99 = tpu.vector_load %arg7[%swap3A_98] {strides = array<i32>} : memref<256xi32, #tpu.memory_space<vmem>>, vector<16xi32>,
      %swap3A_100 = vector.shape_cast %swap3A_99 : vector<16xi32> to vector<16xi32>
      %swap3A_101 = vector.shape_cast %gather3A_97 : vector<16xi32> to vector<16xi32>
      tpu.vector_store %arg7[%swap3A_98], %swap3A_101 {strides = array<i32>} : memref<256xi32, #tpu.memory_space<vmem>>, vector<16xi32>,
      %broadcast_in_dim3A_102 = arith.constant 7 : i32
      %broadcast_in_dim3A_103 = vector.broadcast %broadcast_in_dim3A_102 : i32 to vector<16xi32>
      %reshape3A_104 = vector.shape_cast %broadcast_in_dim3A_103 : vector<16xi32> to vector<16x1xi32>
      %gather3A_105 = vector.shape_cast %reshape3A_104 : vector<16x1xi32> to vector<16xi32>
      %gather3A_106 = tpu.dynamic_gather %get3A_42[%gather3A_105] in [0] : vector<16xi32>, vector<16xi32> -> vector<16xi32>
      %swap3A_107 = arith.constant 112 : index
      %swap3A_108 = tpu.vector_load %arg7[%swap3A_107] {strides = array<i32>} : memref<256xi32, #tpu.memory_space<vmem>>, vector<16xi32>,
      %swap3A_109 = vector.shape_cast %swap3A_108 : vector<16xi32> to vector<16xi32>
      %swap3A_110 = vector.shape_cast %gather3A_106 : vector<16xi32> to vector<16xi32>
      tpu.vector_store %arg7[%swap3A_107], %swap3A_110 {strides = array<i32>} : memref<256xi32, #tpu.memory_space<vmem>>, vector<16xi32>,
      %broadcast_in_dim3A_111 = arith.constant 8 : i32
      %broadcast_in_dim3A_112 = vector.broadcast %broadcast_in_dim3A_111 : i32 to vector<16xi32>
      %reshape3A_113 = vector.shape_cast %broadcast_in_dim3A_112 : vector<16xi32> to vector<16x1xi32>
      %gather3A_114 = vector.shape_cast %reshape3A_113 : vector<16x1xi32> to vector<16xi32>
      %gather3A_115 = tpu.dynamic_gather %get3A_42[%gather3A_114] in [0] : vector<16xi32>, vector<16xi32> -> vector<16xi32>
      %swap3A_116 = arith.constant 128 : index
      %swap3A_117 = tpu.vector_load %arg7[%swap3A_116] {strides = array<i32>} : memref<256xi32, #tpu.memory_space<vmem>>, vector<16xi32>,
      %swap3A_118 = vector.shape_cast %swap3A_117 : vector<16xi32> to vector<16xi32>
      %swap3A_119 = vector.shape_cast %gather3A_115 : vector<16xi32> to vector<16xi32>
      tpu.vector_store %arg7[%swap3A_116], %swap3A_119 {strides = array<i32>} : memref<256xi32, #tpu.memory_space<vmem>>, vector<16xi32>,
      %broadcast_in_dim3A_120 = arith.constant 9 : i32
      %broadcast_in_dim3A_121 = vector.broadcast %broadcast_in_dim3A_120 : i32 to vector<16xi32>
      %reshape3A_122 = vector.shape_cast %broadcast_in_dim3A_121 : vector<16xi32> to vector<16x1xi32>
      %gather3A_123 = vector.shape_cast %reshape3A_122 : vector<16x1xi32> to vector<16xi32>
      %gather3A_124 = tpu.dynamic_gather %get3A_42[%gather3A_123] in [0] : vector<16xi32>, vector<16xi32> -> vector<16xi32>
      %swap3A_125 = arith.constant 144 : index
      %swap3A_126 = tpu.vector_load %arg7[%swap3A_125] {strides = array<i32>} : memref<256xi32, #tpu.memory_space<vmem>>, vector<16xi32>,
      %swap3A_127 = vector.shape_cast %swap3A_126 : vector<16xi32> to vector<16xi32>
      %swap3A_128 = vector.shape_cast %gather3A_124 : vector<16xi32> to vector<16xi32>
      tpu.vector_store %arg7[%swap3A_125], %swap3A_128 {strides = array<i32>} : memref<256xi32, #tpu.memory_space<vmem>>, vector<16xi32>,
      %broadcast_in_dim3A_129 = arith.constant 10 : i32
      %broadcast_in_dim3A_130 = vector.broadcast %broadcast_in_dim3A_129 : i32 to vector<16xi32>
      %reshape3A_131 = vector.shape_cast %broadcast_in_dim3A_130 : vector<16xi32> to vector<16x1xi32>
      %gather3A_132 = vector.shape_cast %reshape3A_131 : vector<16x1xi32> to vector<16xi32>
      %gather3A_133 = tpu.dynamic_gather %get3A_42[%gather3A_132] in [0] : vector<16xi32>, vector<16xi32> -> vector<16xi32>
      %swap3A_134 = arith.constant 160 : index
      %swap3A_135 = tpu.vector_load %arg7[%swap3A_134] {strides = array<i32>} : memref<256xi32, #tpu.memory_space<vmem>>, vector<16xi32>,
      %swap3A_136 = vector.shape_cast %swap3A_135 : vector<16xi32> to vector<16xi32>
      %swap3A_137 = vector.shape_cast %gather3A_133 : vector<16xi32> to vector<16xi32>
      tpu.vector_store %arg7[%swap3A_134], %swap3A_137 {strides = array<i32>} : memref<256xi32, #tpu.memory_space<vmem>>, vector<16xi32>,
      %broadcast_in_dim3A_138 = arith.constant 11 : i32
      %broadcast_in_dim3A_139 = vector.broadcast %broadcast_in_dim3A_138 : i32 to vector<16xi32>
      %reshape3A_140 = vector.shape_cast %broadcast_in_dim3A_139 : vector<16xi32> to vector<16x1xi32>
      %gather3A_141 = vector.shape_cast %reshape3A_140 : vector<16x1xi32> to vector<16xi32>
      %gather3A_142 = tpu.dynamic_gather %get3A_42[%gather3A_141] in [0] : vector<16xi32>, vector<16xi32> -> vector<16xi32>
      %swap3A_143 = arith.constant 176 : index
      %swap3A_144 = tpu.vector_load %arg7[%swap3A_143] {strides = array<i32>} : memref<256xi32, #tpu.memory_space<vmem>>, vector<16xi32>,
      %swap3A_145 = vector.shape_cast %swap3A_144 : vector<16xi32> to vector<16xi32>
      %swap3A_146 = vector.shape_cast %gather3A_142 : vector<16xi32> to vector<16xi32>
      tpu.vector_store %arg7[%swap3A_143], %swap3A_146 {strides = array<i32>} : memref<256xi32, #tpu.memory_space<vmem>>, vector<16xi32>,
      %broadcast_in_dim3A_147 = arith.constant 12 : i32
      %broadcast_in_dim3A_148 = vector.broadcast %broadcast_in_dim3A_147 : i32 to vector<16xi32>
      %reshape3A_149 = vector.shape_cast %broadcast_in_dim3A_148 : vector<16xi32> to vector<16x1xi32>
      %gather3A_150 = vector.shape_cast %reshape3A_149 : vector<16x1xi32> to vector<16xi32>
      %gather3A_151 = tpu.dynamic_gather %get3A_42[%gather3A_150] in [0] : vector<16xi32>, vector<16xi32> -> vector<16xi32>
      %swap3A_152 = arith.constant 192 : index
      %swap3A_153 = tpu.vector_load %arg7[%swap3A_152] {strides = array<i32>} : memref<256xi32, #tpu.memory_space<vmem>>, vector<16xi32>,
      %swap3A_154 = vector.shape_cast %swap3A_153 : vector<16xi32> to vector<16xi32>
      %swap3A_155 = vector.shape_cast %gather3A_151 : vector<16xi32> to vector<16xi32>
      tpu.vector_store %arg7[%swap3A_152], %swap3A_155 {strides = array<i32>} : memref<256xi32, #tpu.memory_space<vmem>>, vector<16xi32>,
      %broadcast_in_dim3A_156 = arith.constant 13 : i32
      %broadcast_in_dim3A_157 = vector.broadcast %broadcast_in_dim3A_156 : i32 to vector<16xi32>
      %reshape3A_158 = vector.shape_cast %broadcast_in_dim3A_157 : vector<16xi32> to vector<16x1xi32>
      %gather3A_159 = vector.shape_cast %reshape3A_158 : vector<16x1xi32> to vector<16xi32>
      %gather3A_160 = tpu.dynamic_gather %get3A_42[%gather3A_159] in [0] : vector<16xi32>, vector<16xi32> -> vector<16xi32>
      %swap3A_161 = arith.constant 208 : index
      %swap3A_162 = tpu.vector_load %arg7[%swap3A_161] {strides = array<i32>} : memref<256xi32, #tpu.memory_space<vmem>>, vector<16xi32>,
      %swap3A_163 = vector.shape_cast %swap3A_162 : vector<16xi32> to vector<16xi32>
      %swap3A_164 = vector.shape_cast %gather3A_160 : vector<16xi32> to vector<16xi32>
      tpu.vector_store %arg7[%swap3A_161], %swap3A_164 {strides = array<i32>} : memref<256xi32, #tpu.memory_space<vmem>>, vector<16xi32>,
      %broadcast_in_dim3A_165 = arith.constant 14 : i32
      %broadcast_in_dim3A_166 = vector.broadcast %broadcast_in_dim3A_165 : i32 to vector<16xi32>
      %reshape3A_167 = vector.shape_cast %broadcast_in_dim3A_166 : vector<16xi32> to vector<16x1xi32>
      %gather3A_168 = vector.shape_cast %reshape3A_167 : vector<16x1xi32> to vector<16xi32>
      %gather3A_169 = tpu.dynamic_gather %get3A_42[%gather3A_168] in [0] : vector<16xi32>, vector<16xi32> -> vector<16xi32>
      %swap3A_170 = arith.constant 224 : index
      %swap3A_171 = tpu.vector_load %arg7[%swap3A_170] {strides = array<i32>} : memref<256xi32, #tpu.memory_space<vmem>>, vector<16xi32>,
      %swap3A_172 = vector.shape_cast %swap3A_171 : vector<16xi32> to vector<16xi32>
      %swap3A_173 = vector.shape_cast %gather3A_169 : vector<16xi32> to vector<16xi32>
      tpu.vector_store %arg7[%swap3A_170], %swap3A_173 {strides = array<i32>} : memref<256xi32, #tpu.memory_space<vmem>>, vector<16xi32>,
      %broadcast_in_dim3A_174 = arith.constant 15 : i32
      %broadcast_in_dim3A_175 = vector.broadcast %broadcast_in_dim3A_174 : i32 to vector<16xi32>
      %reshape3A_176 = vector.shape_cast %broadcast_in_dim3A_175 : vector<16xi32> to vector<16x1xi32>
      %gather3A_177 = vector.shape_cast %reshape3A_176 : vector<16x1xi32> to vector<16xi32>
      %gather3A_178 = tpu.dynamic_gather %get3A_42[%gather3A_177] in [0] : vector<16xi32>, vector<16xi32> -> vector<16xi32>
      %swap3A_179 = arith.constant 240 : index
      %swap3A_180 = tpu.vector_load %arg7[%swap3A_179] {strides = array<i32>} : memref<256xi32, #tpu.memory_space<vmem>>, vector<16xi32>,
      %swap3A_181 = vector.shape_cast %swap3A_180 : vector<16xi32> to vector<16xi32>
      %swap3A_182 = vector.shape_cast %gather3A_178 : vector<16xi32> to vector<16xi32>
      tpu.vector_store %arg7[%swap3A_179], %swap3A_182 {strides = array<i32>} : memref<256xi32, #tpu.memory_space<vmem>>, vector<16xi32>,
      %parallel_loop3A = arith.constant 0 : i32
      %parallel_loop3A_183 = arith.constant 64 : i32
      %parallel_loop3A_184 = arith.constant 1 : i32
      scf.for %parallel_loop3A_195 = %parallel_loop3A to %parallel_loop3A_183 step %parallel_loop3A_184  : i32 {
        %parallel_loop3A_196 = arith.constant 16 : i32
        %parallel_loop3A_197 = arith.muli %parallel_loop3A_195, %parallel_loop3A_196 : i32
        %parallel_loop3A_198 = arith.constant 0 : i32
        %parallel_loop3A_199 = arith.index_cast %parallel_loop3A_198 : i32 to index
        %parallel_loop3A_200 = arith.index_cast %parallel_loop3A_197 : i32 to index
        %parallel_loop3A_201 = tpu.vector_load %arg6[%parallel_loop3A_199, %parallel_loop3A_200] {strides = array<i32>} : memref<2x1024xf32, #tpu.memory_space<vmem>>, vector<1x16xf32>,
        %parallel_loop3A_202 = vector.shape_cast %parallel_loop3A_201 : vector<1x16xf32> to vector<16xf32>
        %parallel_loop3A_203 = arith.constant 16 : i32
        %parallel_loop3A_204 = arith.muli %parallel_loop3A_195, %parallel_loop3A_203 : i32
        %parallel_loop3A_205 = arith.constant 1 : i32
        %parallel_loop3A_206 = arith.index_cast %parallel_loop3A_205 : i32 to index
        %parallel_loop3A_207 = arith.index_cast %parallel_loop3A_204 : i32 to index
        %parallel_loop3A_208 = tpu.vector_load %arg6[%parallel_loop3A_206, %parallel_loop3A_207] {strides = array<i32>} : memref<2x1024xf32, #tpu.memory_space<vmem>>, vector<1x16xf32>,
        %parallel_loop3A_209 = vector.shape_cast %parallel_loop3A_208 : vector<1x16xf32> to vector<16xf32>
        %parallel_loop3A_210 = arith.constant 0 : index
        %parallel_loop3A_211 = tpu.vector_load %arg7[%parallel_loop3A_210] {strides = array<i32>} : memref<256xi32, #tpu.memory_space<vmem>>, vector<16xi32>,
        %parallel_loop3A_212 = vector.shape_cast %parallel_loop3A_211 : vector<16xi32> to vector<16xi32>
        %parallel_loop3A_213 = arith.constant 0 : i32
        %parallel_loop3A_214 = vector.broadcast %parallel_loop3A_213 : i32 to vector<16xi32>
        %parallel_loop3A_215 = arith.cmpi ne, %parallel_loop3A_212, %parallel_loop3A_214 : vector<16xi32>
        %parallel_loop3A_216 = arith.select %parallel_loop3A_215, %parallel_loop3A_209, %parallel_loop3A_202 : vector<16xi1>, vector<16xf32>
        %parallel_loop3A_217 = arith.constant 16 : i32
        %parallel_loop3A_218 = arith.muli %parallel_loop3A_195, %parallel_loop3A_217 : i32
        %parallel_loop3A_219 = arith.constant 0 : i32
        %parallel_loop3A_220 = arith.constant 0 : i32
        %parallel_loop3A_221 = tpu.memref_slice %arg8[%mul3A_34, %parallel_loop3A_220] : memref<32x1024xf32, #tpu.memory_space<vmem>> -> memref<16x1024xf32, #tpu.memory_space<vmem>>
        %parallel_loop3A_222 = arith.index_cast %parallel_loop3A_219 : i32 to index
        %parallel_loop3A_223 = arith.index_cast %parallel_loop3A_218 : i32 to index
        %parallel_loop3A_224 = tpu.vector_load %parallel_loop3A_221[%parallel_loop3A_222, %parallel_loop3A_223] {strides = array<i32>} : memref<16x1024xf32, #tpu.memory_space<vmem>>, vector<1x16xf32>,
        %parallel_loop3A_225 = vector.shape_cast %parallel_loop3A_224 : vector<1x16xf32> to vector<16xf32>
        %parallel_loop3A_226 = vector.shape_cast %parallel_loop3A_216 : vector<16xf32> to vector<1x16xf32>
        tpu.vector_store %parallel_loop3A_221[%parallel_loop3A_222, %parallel_loop3A_223], %parallel_loop3A_226 {strides = array<i32>} : memref<16x1024xf32, #tpu.memory_space<vmem>>, vector<1x16xf32>,
        %parallel_loop3A_227 = arith.constant 16 : index
        %parallel_loop3A_228 = tpu.vector_load %arg7[%parallel_loop3A_227] {strides = array<i32>} : memref<256xi32, #tpu.memory_space<vmem>>, vector<16xi32>,
        %parallel_loop3A_229 = vector.shape_cast %parallel_loop3A_228 : vector<16xi32> to vector<16xi32>
        %parallel_loop3A_230 = arith.constant 0 : i32
        %parallel_loop3A_231 = vector.broadcast %parallel_loop3A_230 : i32 to vector<16xi32>
        %parallel_loop3A_232 = arith.cmpi ne, %parallel_loop3A_229, %parallel_loop3A_231 : vector<16xi32>
        %parallel_loop3A_233 = arith.select %parallel_loop3A_232, %parallel_loop3A_209, %parallel_loop3A_202 : vector<16xi1>, vector<16xf32>
        %parallel_loop3A_234 = arith.constant 16 : i32
        %parallel_loop3A_235 = arith.muli %parallel_loop3A_195, %parallel_loop3A_234 : i32
        %parallel_loop3A_236 = arith.constant 1 : i32
        %parallel_loop3A_237 = arith.constant 0 : i32
        %parallel_loop3A_238 = tpu.memref_slice %arg8[%mul3A_34, %parallel_loop3A_237] : memref<32x1024xf32, #tpu.memory_space<vmem>> -> memref<16x1024xf32, #tpu.memory_space<vmem>>
        %parallel_loop3A_239 = arith.index_cast %parallel_loop3A_236 : i32 to index
        %parallel_loop3A_240 = arith.index_cast %parallel_loop3A_235 : i32 to index
        %parallel_loop3A_241 = tpu.vector_load %parallel_loop3A_238[%parallel_loop3A_239, %parallel_loop3A_240] {strides = array<i32>} : memref<16x1024xf32, #tpu.memory_space<vmem>>, vector<1x16xf32>,
        %parallel_loop3A_242 = vector.shape_cast %parallel_loop3A_241 : vector<1x16xf32> to vector<16xf32>
        %parallel_loop3A_243 = vector.shape_cast %parallel_loop3A_233 : vector<16xf32> to vector<1x16xf32>
        tpu.vector_store %parallel_loop3A_238[%parallel_loop3A_239, %parallel_loop3A_240], %parallel_loop3A_243 {strides = array<i32>} : memref<16x1024xf32, #tpu.memory_space<vmem>>, vector<1x16xf32>,
        %parallel_loop3A_244 = arith.constant 32 : index
        %parallel_loop3A_245 = tpu.vector_load %arg7[%parallel_loop3A_244] {strides = array<i32>} : memref<256xi32, #tpu.memory_space<vmem>>, vector<16xi32>,
        %parallel_loop3A_246 = vector.shape_cast %parallel_loop3A_245 : vector<16xi32> to vector<16xi32>
        %parallel_loop3A_247 = arith.constant 0 : i32
        %parallel_loop3A_248 = vector.broadcast %parallel_loop3A_247 : i32 to vector<16xi32>
        %parallel_loop3A_249 = arith.cmpi ne, %parallel_loop3A_246, %parallel_loop3A_248 : vector<16xi32>
        %parallel_loop3A_250 = arith.select %parallel_loop3A_249, %parallel_loop3A_209, %parallel_loop3A_202 : vector<16xi1>, vector<16xf32>
        %parallel_loop3A_251 = arith.constant 16 : i32
        %parallel_loop3A_252 = arith.muli %parallel_loop3A_195, %parallel_loop3A_251 : i32
        %parallel_loop3A_253 = arith.constant 2 : i32
        %parallel_loop3A_254 = arith.constant 0 : i32
        %parallel_loop3A_255 = tpu.memref_slice %arg8[%mul3A_34, %parallel_loop3A_254] : memref<32x1024xf32, #tpu.memory_space<vmem>> -> memref<16x1024xf32, #tpu.memory_space<vmem>>
        %parallel_loop3A_256 = arith.index_cast %parallel_loop3A_253 : i32 to index
        %parallel_loop3A_257 = arith.index_cast %parallel_loop3A_252 : i32 to index
        %parallel_loop3A_258 = tpu.vector_load %parallel_loop3A_255[%parallel_loop3A_256, %parallel_loop3A_257] {strides = array<i32>} : memref<16x1024xf32, #tpu.memory_space<vmem>>, vector<1x16xf32>,
        %parallel_loop3A_259 = vector.shape_cast %parallel_loop3A_258 : vector<1x16xf32> to vector<16xf32>
        %parallel_loop3A_260 = vector.shape_cast %parallel_loop3A_250 : vector<16xf32> to vector<1x16xf32>
        tpu.vector_store %parallel_loop3A_255[%parallel_loop3A_256, %parallel_loop3A_257], %parallel_loop3A_260 {strides = array<i32>} : memref<16x1024xf32, #tpu.memory_space<vmem>>, vector<1x16xf32>,
        %parallel_loop3A_261 = arith.constant 48 : index
        %parallel_loop3A_262 = tpu.vector_load %arg7[%parallel_loop3A_261] {strides = array<i32>} : memref<256xi32, #tpu.memory_space<vmem>>, vector<16xi32>,
        %parallel_loop3A_263 = vector.shape_cast %parallel_loop3A_262 : vector<16xi32> to vector<16xi32>
        %parallel_loop3A_264 = arith.constant 0 : i32
        %parallel_loop3A_265 = vector.broadcast %parallel_loop3A_264 : i32 to vector<16xi32>
        %parallel_loop3A_266 = arith.cmpi ne, %parallel_loop3A_263, %parallel_loop3A_265 : vector<16xi32>
        %parallel_loop3A_267 = arith.select %parallel_loop3A_266, %parallel_loop3A_209, %parallel_loop3A_202 : vector<16xi1>, vector<16xf32>
        %parallel_loop3A_268 = arith.constant 16 : i32
        %parallel_loop3A_269 = arith.muli %parallel_loop3A_195, %parallel_loop3A_268 : i32
        %parallel_loop3A_270 = arith.constant 3 : i32
        %parallel_loop3A_271 = arith.constant 0 : i32
        %parallel_loop3A_272 = tpu.memref_slice %arg8[%mul3A_34, %parallel_loop3A_271] : memref<32x1024xf32, #tpu.memory_space<vmem>> -> memref<16x1024xf32, #tpu.memory_space<vmem>>
        %parallel_loop3A_273 = arith.index_cast %parallel_loop3A_270 : i32 to index
        %parallel_loop3A_274 = arith.index_cast %parallel_loop3A_269 : i32 to index
        %parallel_loop3A_275 = tpu.vector_load %parallel_loop3A_272[%parallel_loop3A_273, %parallel_loop3A_274] {strides = array<i32>} : memref<16x1024xf32, #tpu.memory_space<vmem>>, vector<1x16xf32>,
        %parallel_loop3A_276 = vector.shape_cast %parallel_loop3A_275 : vector<1x16xf32> to vector<16xf32>
        %parallel_loop3A_277 = vector.shape_cast %parallel_loop3A_267 : vector<16xf32> to vector<1x16xf32>
        tpu.vector_store %parallel_loop3A_272[%parallel_loop3A_273, %parallel_loop3A_274], %parallel_loop3A_277 {strides = array<i32>} : memref<16x1024xf32, #tpu.memory_space<vmem>>, vector<1x16xf32>,
        %parallel_loop3A_278 = arith.constant 64 : index
        %parallel_loop3A_279 = tpu.vector_load %arg7[%parallel_loop3A_278] {strides = array<i32>} : memref<256xi32, #tpu.memory_space<vmem>>, vector<16xi32>,
        %parallel_loop3A_280 = vector.shape_cast %parallel_loop3A_279 : vector<16xi32> to vector<16xi32>
        %parallel_loop3A_281 = arith.constant 0 : i32
        %parallel_loop3A_282 = vector.broadcast %parallel_loop3A_281 : i32 to vector<16xi32>
        %parallel_loop3A_283 = arith.cmpi ne, %parallel_loop3A_280, %parallel_loop3A_282 : vector<16xi32>
        %parallel_loop3A_284 = arith.select %parallel_loop3A_283, %parallel_loop3A_209, %parallel_loop3A_202 : vector<16xi1>, vector<16xf32>
        %parallel_loop3A_285 = arith.constant 16 : i32
        %parallel_loop3A_286 = arith.muli %parallel_loop3A_195, %parallel_loop3A_285 : i32
        %parallel_loop3A_287 = arith.constant 4 : i32
        %parallel_loop3A_288 = arith.constant 0 : i32
        %parallel_loop3A_289 = tpu.memref_slice %arg8[%mul3A_34, %parallel_loop3A_288] : memref<32x1024xf32, #tpu.memory_space<vmem>> -> memref<16x1024xf32, #tpu.memory_space<vmem>>
        %parallel_loop3A_290 = arith.index_cast %parallel_loop3A_287 : i32 to index
        %parallel_loop3A_291 = arith.index_cast %parallel_loop3A_286 : i32 to index
        %parallel_loop3A_292 = tpu.vector_load %parallel_loop3A_289[%parallel_loop3A_290, %parallel_loop3A_291] {strides = array<i32>} : memref<16x1024xf32, #tpu.memory_space<vmem>>, vector<1x16xf32>,
        %parallel_loop3A_293 = vector.shape_cast %parallel_loop3A_292 : vector<1x16xf32> to vector<16xf32>
        %parallel_loop3A_294 = vector.shape_cast %parallel_loop3A_284 : vector<16xf32> to vector<1x16xf32>
        tpu.vector_store %parallel_loop3A_289[%parallel_loop3A_290, %parallel_loop3A_291], %parallel_loop3A_294 {strides = array<i32>} : memref<16x1024xf32, #tpu.memory_space<vmem>>, vector<1x16xf32>,
        %parallel_loop3A_295 = arith.constant 80 : index
        %parallel_loop3A_296 = tpu.vector_load %arg7[%parallel_loop3A_295] {strides = array<i32>} : memref<256xi32, #tpu.memory_space<vmem>>, vector<16xi32>,
        %parallel_loop3A_297 = vector.shape_cast %parallel_loop3A_296 : vector<16xi32> to vector<16xi32>
        %parallel_loop3A_298 = arith.constant 0 : i32
        %parallel_loop3A_299 = vector.broadcast %parallel_loop3A_298 : i32 to vector<16xi32>
        %parallel_loop3A_300 = arith.cmpi ne, %parallel_loop3A_297, %parallel_loop3A_299 : vector<16xi32>
        %parallel_loop3A_301 = arith.select %parallel_loop3A_300, %parallel_loop3A_209, %parallel_loop3A_202 : vector<16xi1>, vector<16xf32>
        %parallel_loop3A_302 = arith.constant 16 : i32
        %parallel_loop3A_303 = arith.muli %parallel_loop3A_195, %parallel_loop3A_302 : i32
        %parallel_loop3A_304 = arith.constant 5 : i32
        %parallel_loop3A_305 = arith.constant 0 : i32
        %parallel_loop3A_306 = tpu.memref_slice %arg8[%mul3A_34, %parallel_loop3A_305] : memref<32x1024xf32, #tpu.memory_space<vmem>> -> memref<16x1024xf32, #tpu.memory_space<vmem>>
        %parallel_loop3A_307 = arith.index_cast %parallel_loop3A_304 : i32 to index
        %parallel_loop3A_308 = arith.index_cast %parallel_loop3A_303 : i32 to index
        %parallel_loop3A_309 = tpu.vector_load %parallel_loop3A_306[%parallel_loop3A_307, %parallel_loop3A_308] {strides = array<i32>} : memref<16x1024xf32, #tpu.memory_space<vmem>>, vector<1x16xf32>,
        %parallel_loop3A_310 = vector.shape_cast %parallel_loop3A_309 : vector<1x16xf32> to vector<16xf32>
        %parallel_loop3A_311 = vector.shape_cast %parallel_loop3A_301 : vector<16xf32> to vector<1x16xf32>
        tpu.vector_store %parallel_loop3A_306[%parallel_loop3A_307, %parallel_loop3A_308], %parallel_loop3A_311 {strides = array<i32>} : memref<16x1024xf32, #tpu.memory_space<vmem>>, vector<1x16xf32>,
        %parallel_loop3A_312 = arith.constant 96 : index
        %parallel_loop3A_313 = tpu.vector_load %arg7[%parallel_loop3A_312] {strides = array<i32>} : memref<256xi32, #tpu.memory_space<vmem>>, vector<16xi32>,
        %parallel_loop3A_314 = vector.shape_cast %parallel_loop3A_313 : vector<16xi32> to vector<16xi32>
        %parallel_loop3A_315 = arith.constant 0 : i32
        %parallel_loop3A_316 = vector.broadcast %parallel_loop3A_315 : i32 to vector<16xi32>
        %parallel_loop3A_317 = arith.cmpi ne, %parallel_loop3A_314, %parallel_loop3A_316 : vector<16xi32>
        %parallel_loop3A_318 = arith.select %parallel_loop3A_317, %parallel_loop3A_209, %parallel_loop3A_202 : vector<16xi1>, vector<16xf32>
        %parallel_loop3A_319 = arith.constant 16 : i32
        %parallel_loop3A_320 = arith.muli %parallel_loop3A_195, %parallel_loop3A_319 : i32
        %parallel_loop3A_321 = arith.constant 6 : i32
        %parallel_loop3A_322 = arith.constant 0 : i32
        %parallel_loop3A_323 = tpu.memref_slice %arg8[%mul3A_34, %parallel_loop3A_322] : memref<32x1024xf32, #tpu.memory_space<vmem>> -> memref<16x1024xf32, #tpu.memory_space<vmem>>
        %parallel_loop3A_324 = arith.index_cast %parallel_loop3A_321 : i32 to index
        %parallel_loop3A_325 = arith.index_cast %parallel_loop3A_320 : i32 to index
        %parallel_loop3A_326 = tpu.vector_load %parallel_loop3A_323[%parallel_loop3A_324, %parallel_loop3A_325] {strides = array<i32>} : memref<16x1024xf32, #tpu.memory_space<vmem>>, vector<1x16xf32>,
        %parallel_loop3A_327 = vector.shape_cast %parallel_loop3A_326 : vector<1x16xf32> to vector<16xf32>
        %parallel_loop3A_328 = vector.shape_cast %parallel_loop3A_318 : vector<16xf32> to vector<1x16xf32>
        tpu.vector_store %parallel_loop3A_323[%parallel_loop3A_324, %parallel_loop3A_325], %parallel_loop3A_328 {strides = array<i32>} : memref<16x1024xf32, #tpu.memory_space<vmem>>, vector<1x16xf32>,
        %parallel_loop3A_329 = arith.constant 112 : index
        %parallel_loop3A_330 = tpu.vector_load %arg7[%parallel_loop3A_329] {strides = array<i32>} : memref<256xi32, #tpu.memory_space<vmem>>, vector<16xi32>,
        %parallel_loop3A_331 = vector.shape_cast %parallel_loop3A_330 : vector<16xi32> to vector<16xi32>
        %parallel_loop3A_332 = arith.constant 0 : i32
        %parallel_loop3A_333 = vector.broadcast %parallel_loop3A_332 : i32 to vector<16xi32>
        %parallel_loop3A_334 = arith.cmpi ne, %parallel_loop3A_331, %parallel_loop3A_333 : vector<16xi32>
        %parallel_loop3A_335 = arith.select %parallel_loop3A_334, %parallel_loop3A_209, %parallel_loop3A_202 : vector<16xi1>, vector<16xf32>
        %parallel_loop3A_336 = arith.constant 16 : i32
        %parallel_loop3A_337 = arith.muli %parallel_loop3A_195, %parallel_loop3A_336 : i32
        %parallel_loop3A_338 = arith.constant 7 : i32
        %parallel_loop3A_339 = arith.constant 0 : i32
        %parallel_loop3A_340 = tpu.memref_slice %arg8[%mul3A_34, %parallel_loop3A_339] : memref<32x1024xf32, #tpu.memory_space<vmem>> -> memref<16x1024xf32, #tpu.memory_space<vmem>>
        %parallel_loop3A_341 = arith.index_cast %parallel_loop3A_338 : i32 to index
        %parallel_loop3A_342 = arith.index_cast %parallel_loop3A_337 : i32 to index
        %parallel_loop3A_343 = tpu.vector_load %parallel_loop3A_340[%parallel_loop3A_341, %parallel_loop3A_342] {strides = array<i32>} : memref<16x1024xf32, #tpu.memory_space<vmem>>, vector<1x16xf32>,
        %parallel_loop3A_344 = vector.shape_cast %parallel_loop3A_343 : vector<1x16xf32> to vector<16xf32>
        %parallel_loop3A_345 = vector.shape_cast %parallel_loop3A_335 : vector<16xf32> to vector<1x16xf32>
        tpu.vector_store %parallel_loop3A_340[%parallel_loop3A_341, %parallel_loop3A_342], %parallel_loop3A_345 {strides = array<i32>} : memref<16x1024xf32, #tpu.memory_space<vmem>>, vector<1x16xf32>,
        %parallel_loop3A_346 = arith.constant 128 : index
        %parallel_loop3A_347 = tpu.vector_load %arg7[%parallel_loop3A_346] {strides = array<i32>} : memref<256xi32, #tpu.memory_space<vmem>>, vector<16xi32>,
        %parallel_loop3A_348 = vector.shape_cast %parallel_loop3A_347 : vector<16xi32> to vector<16xi32>
        %parallel_loop3A_349 = arith.constant 0 : i32
        %parallel_loop3A_350 = vector.broadcast %parallel_loop3A_349 : i32 to vector<16xi32>
        %parallel_loop3A_351 = arith.cmpi ne, %parallel_loop3A_348, %parallel_loop3A_350 : vector<16xi32>
        %parallel_loop3A_352 = arith.select %parallel_loop3A_351, %parallel_loop3A_209, %parallel_loop3A_202 : vector<16xi1>, vector<16xf32>
        %parallel_loop3A_353 = arith.constant 16 : i32
        %parallel_loop3A_354 = arith.muli %parallel_loop3A_195, %parallel_loop3A_353 : i32
        %parallel_loop3A_355 = arith.constant 8 : i32
        %parallel_loop3A_356 = arith.constant 0 : i32
        %parallel_loop3A_357 = tpu.memref_slice %arg8[%mul3A_34, %parallel_loop3A_356] : memref<32x1024xf32, #tpu.memory_space<vmem>> -> memref<16x1024xf32, #tpu.memory_space<vmem>>
        %parallel_loop3A_358 = arith.index_cast %parallel_loop3A_355 : i32 to index
        %parallel_loop3A_359 = arith.index_cast %parallel_loop3A_354 : i32 to index
        %parallel_loop3A_360 = tpu.vector_load %parallel_loop3A_357[%parallel_loop3A_358, %parallel_loop3A_359] {strides = array<i32>} : memref<16x1024xf32, #tpu.memory_space<vmem>>, vector<1x16xf32>,
        %parallel_loop3A_361 = vector.shape_cast %parallel_loop3A_360 : vector<1x16xf32> to vector<16xf32>
        %parallel_loop3A_362 = vector.shape_cast %parallel_loop3A_352 : vector<16xf32> to vector<1x16xf32>
        tpu.vector_store %parallel_loop3A_357[%parallel_loop3A_358, %parallel_loop3A_359], %parallel_loop3A_362 {strides = array<i32>} : memref<16x1024xf32, #tpu.memory_space<vmem>>, vector<1x16xf32>,
        %parallel_loop3A_363 = arith.constant 144 : index
        %parallel_loop3A_364 = tpu.vector_load %arg7[%parallel_loop3A_363] {strides = array<i32>} : memref<256xi32, #tpu.memory_space<vmem>>, vector<16xi32>,
        %parallel_loop3A_365 = vector.shape_cast %parallel_loop3A_364 : vector<16xi32> to vector<16xi32>
        %parallel_loop3A_366 = arith.constant 0 : i32
        %parallel_loop3A_367 = vector.broadcast %parallel_loop3A_366 : i32 to vector<16xi32>
        %parallel_loop3A_368 = arith.cmpi ne, %parallel_loop3A_365, %parallel_loop3A_367 : vector<16xi32>
        %parallel_loop3A_369 = arith.select %parallel_loop3A_368, %parallel_loop3A_209, %parallel_loop3A_202 : vector<16xi1>, vector<16xf32>
        %parallel_loop3A_370 = arith.constant 16 : i32
        %parallel_loop3A_371 = arith.muli %parallel_loop3A_195, %parallel_loop3A_370 : i32
        %parallel_loop3A_372 = arith.constant 9 : i32
        %parallel_loop3A_373 = arith.constant 0 : i32
        %parallel_loop3A_374 = tpu.memref_slice %arg8[%mul3A_34, %parallel_loop3A_373] : memref<32x1024xf32, #tpu.memory_space<vmem>> -> memref<16x1024xf32, #tpu.memory_space<vmem>>
        %parallel_loop3A_375 = arith.index_cast %parallel_loop3A_372 : i32 to index
        %parallel_loop3A_376 = arith.index_cast %parallel_loop3A_371 : i32 to index
        %parallel_loop3A_377 = tpu.vector_load %parallel_loop3A_374[%parallel_loop3A_375, %parallel_loop3A_376] {strides = array<i32>} : memref<16x1024xf32, #tpu.memory_space<vmem>>, vector<1x16xf32>,
        %parallel_loop3A_378 = vector.shape_cast %parallel_loop3A_377 : vector<1x16xf32> to vector<16xf32>
        %parallel_loop3A_379 = vector.shape_cast %parallel_loop3A_369 : vector<16xf32> to vector<1x16xf32>
        tpu.vector_store %parallel_loop3A_374[%parallel_loop3A_375, %parallel_loop3A_376], %parallel_loop3A_379 {strides = array<i32>} : memref<16x1024xf32, #tpu.memory_space<vmem>>, vector<1x16xf32>,
        %parallel_loop3A_380 = arith.constant 160 : index
        %parallel_loop3A_381 = tpu.vector_load %arg7[%parallel_loop3A_380] {strides = array<i32>} : memref<256xi32, #tpu.memory_space<vmem>>, vector<16xi32>,
        %parallel_loop3A_382 = vector.shape_cast %parallel_loop3A_381 : vector<16xi32> to vector<16xi32>
        %parallel_loop3A_383 = arith.constant 0 : i32
        %parallel_loop3A_384 = vector.broadcast %parallel_loop3A_383 : i32 to vector<16xi32>
        %parallel_loop3A_385 = arith.cmpi ne, %parallel_loop3A_382, %parallel_loop3A_384 : vector<16xi32>
        %parallel_loop3A_386 = arith.select %parallel_loop3A_385, %parallel_loop3A_209, %parallel_loop3A_202 : vector<16xi1>, vector<16xf32>
        %parallel_loop3A_387 = arith.constant 16 : i32
        %parallel_loop3A_388 = arith.muli %parallel_loop3A_195, %parallel_loop3A_387 : i32
        %parallel_loop3A_389 = arith.constant 10 : i32
        %parallel_loop3A_390 = arith.constant 0 : i32
        %parallel_loop3A_391 = tpu.memref_slice %arg8[%mul3A_34, %parallel_loop3A_390] : memref<32x1024xf32, #tpu.memory_space<vmem>> -> memref<16x1024xf32, #tpu.memory_space<vmem>>
        %parallel_loop3A_392 = arith.index_cast %parallel_loop3A_389 : i32 to index
        %parallel_loop3A_393 = arith.index_cast %parallel_loop3A_388 : i32 to index
        %parallel_loop3A_394 = tpu.vector_load %parallel_loop3A_391[%parallel_loop3A_392, %parallel_loop3A_393] {strides = array<i32>} : memref<16x1024xf32, #tpu.memory_space<vmem>>, vector<1x16xf32>,
        %parallel_loop3A_395 = vector.shape_cast %parallel_loop3A_394 : vector<1x16xf32> to vector<16xf32>
        %parallel_loop3A_396 = vector.shape_cast %parallel_loop3A_386 : vector<16xf32> to vector<1x16xf32>
        tpu.vector_store %parallel_loop3A_391[%parallel_loop3A_392, %parallel_loop3A_393], %parallel_loop3A_396 {strides = array<i32>} : memref<16x1024xf32, #tpu.memory_space<vmem>>, vector<1x16xf32>,
        %parallel_loop3A_397 = arith.constant 176 : index
        %parallel_loop3A_398 = tpu.vector_load %arg7[%parallel_loop3A_397] {strides = array<i32>} : memref<256xi32, #tpu.memory_space<vmem>>, vector<16xi32>,
        %parallel_loop3A_399 = vector.shape_cast %parallel_loop3A_398 : vector<16xi32> to vector<16xi32>
        %parallel_loop3A_400 = arith.constant 0 : i32
        %parallel_loop3A_401 = vector.broadcast %parallel_loop3A_400 : i32 to vector<16xi32>
        %parallel_loop3A_402 = arith.cmpi ne, %parallel_loop3A_399, %parallel_loop3A_401 : vector<16xi32>
        %parallel_loop3A_403 = arith.select %parallel_loop3A_402, %parallel_loop3A_209, %parallel_loop3A_202 : vector<16xi1>, vector<16xf32>
        %parallel_loop3A_404 = arith.constant 16 : i32
        %parallel_loop3A_405 = arith.muli %parallel_loop3A_195, %parallel_loop3A_404 : i32
        %parallel_loop3A_406 = arith.constant 11 : i32
        %parallel_loop3A_407 = arith.constant 0 : i32
        %parallel_loop3A_408 = tpu.memref_slice %arg8[%mul3A_34, %parallel_loop3A_407] : memref<32x1024xf32, #tpu.memory_space<vmem>> -> memref<16x1024xf32, #tpu.memory_space<vmem>>
        %parallel_loop3A_409 = arith.index_cast %parallel_loop3A_406 : i32 to index
        %parallel_loop3A_410 = arith.index_cast %parallel_loop3A_405 : i32 to index
        %parallel_loop3A_411 = tpu.vector_load %parallel_loop3A_408[%parallel_loop3A_409, %parallel_loop3A_410] {strides = array<i32>} : memref<16x1024xf32, #tpu.memory_space<vmem>>, vector<1x16xf32>,
        %parallel_loop3A_412 = vector.shape_cast %parallel_loop3A_411 : vector<1x16xf32> to vector<16xf32>
        %parallel_loop3A_413 = vector.shape_cast %parallel_loop3A_403 : vector<16xf32> to vector<1x16xf32>
        tpu.vector_store %parallel_loop3A_408[%parallel_loop3A_409, %parallel_loop3A_410], %parallel_loop3A_413 {strides = array<i32>} : memref<16x1024xf32, #tpu.memory_space<vmem>>, vector<1x16xf32>,
        %parallel_loop3A_414 = arith.constant 192 : index
        %parallel_loop3A_415 = tpu.vector_load %arg7[%parallel_loop3A_414] {strides = array<i32>} : memref<256xi32, #tpu.memory_space<vmem>>, vector<16xi32>,
        %parallel_loop3A_416 = vector.shape_cast %parallel_loop3A_415 : vector<16xi32> to vector<16xi32>
        %parallel_loop3A_417 = arith.constant 0 : i32
        %parallel_loop3A_418 = vector.broadcast %parallel_loop3A_417 : i32 to vector<16xi32>
        %parallel_loop3A_419 = arith.cmpi ne, %parallel_loop3A_416, %parallel_loop3A_418 : vector<16xi32>
        %parallel_loop3A_420 = arith.select %parallel_loop3A_419, %parallel_loop3A_209, %parallel_loop3A_202 : vector<16xi1>, vector<16xf32>
        %parallel_loop3A_421 = arith.constant 16 : i32
        %parallel_loop3A_422 = arith.muli %parallel_loop3A_195, %parallel_loop3A_421 : i32
        %parallel_loop3A_423 = arith.constant 12 : i32
        %parallel_loop3A_424 = arith.constant 0 : i32
        %parallel_loop3A_425 = tpu.memref_slice %arg8[%mul3A_34, %parallel_loop3A_424] : memref<32x1024xf32, #tpu.memory_space<vmem>> -> memref<16x1024xf32, #tpu.memory_space<vmem>>
        %parallel_loop3A_426 = arith.index_cast %parallel_loop3A_423 : i32 to index
        %parallel_loop3A_427 = arith.index_cast %parallel_loop3A_422 : i32 to index
        %parallel_loop3A_428 = tpu.vector_load %parallel_loop3A_425[%parallel_loop3A_426, %parallel_loop3A_427] {strides = array<i32>} : memref<16x1024xf32, #tpu.memory_space<vmem>>, vector<1x16xf32>,
        %parallel_loop3A_429 = vector.shape_cast %parallel_loop3A_428 : vector<1x16xf32> to vector<16xf32>
        %parallel_loop3A_430 = vector.shape_cast %parallel_loop3A_420 : vector<16xf32> to vector<1x16xf32>
        tpu.vector_store %parallel_loop3A_425[%parallel_loop3A_426, %parallel_loop3A_427], %parallel_loop3A_430 {strides = array<i32>} : memref<16x1024xf32, #tpu.memory_space<vmem>>, vector<1x16xf32>,
        %parallel_loop3A_431 = arith.constant 208 : index
        %parallel_loop3A_432 = tpu.vector_load %arg7[%parallel_loop3A_431] {strides = array<i32>} : memref<256xi32, #tpu.memory_space<vmem>>, vector<16xi32>,
        %parallel_loop3A_433 = vector.shape_cast %parallel_loop3A_432 : vector<16xi32> to vector<16xi32>
        %parallel_loop3A_434 = arith.constant 0 : i32
        %parallel_loop3A_435 = vector.broadcast %parallel_loop3A_434 : i32 to vector<16xi32>
        %parallel_loop3A_436 = arith.cmpi ne, %parallel_loop3A_433, %parallel_loop3A_435 : vector<16xi32>
        %parallel_loop3A_437 = arith.select %parallel_loop3A_436, %parallel_loop3A_209, %parallel_loop3A_202 : vector<16xi1>, vector<16xf32>
        %parallel_loop3A_438 = arith.constant 16 : i32
        %parallel_loop3A_439 = arith.muli %parallel_loop3A_195, %parallel_loop3A_438 : i32
        %parallel_loop3A_440 = arith.constant 13 : i32
        %parallel_loop3A_441 = arith.constant 0 : i32
        %parallel_loop3A_442 = tpu.memref_slice %arg8[%mul3A_34, %parallel_loop3A_441] : memref<32x1024xf32, #tpu.memory_space<vmem>> -> memref<16x1024xf32, #tpu.memory_space<vmem>>
        %parallel_loop3A_443 = arith.index_cast %parallel_loop3A_440 : i32 to index
        %parallel_loop3A_444 = arith.index_cast %parallel_loop3A_439 : i32 to index
        %parallel_loop3A_445 = tpu.vector_load %parallel_loop3A_442[%parallel_loop3A_443, %parallel_loop3A_444] {strides = array<i32>} : memref<16x1024xf32, #tpu.memory_space<vmem>>, vector<1x16xf32>,
        %parallel_loop3A_446 = vector.shape_cast %parallel_loop3A_445 : vector<1x16xf32> to vector<16xf32>
        %parallel_loop3A_447 = vector.shape_cast %parallel_loop3A_437 : vector<16xf32> to vector<1x16xf32>
        tpu.vector_store %parallel_loop3A_442[%parallel_loop3A_443, %parallel_loop3A_444], %parallel_loop3A_447 {strides = array<i32>} : memref<16x1024xf32, #tpu.memory_space<vmem>>, vector<1x16xf32>,
        %parallel_loop3A_448 = arith.constant 224 : index
        %parallel_loop3A_449 = tpu.vector_load %arg7[%parallel_loop3A_448] {strides = array<i32>} : memref<256xi32, #tpu.memory_space<vmem>>, vector<16xi32>,
        %parallel_loop3A_450 = vector.shape_cast %parallel_loop3A_449 : vector<16xi32> to vector<16xi32>
        %parallel_loop3A_451 = arith.constant 0 : i32
        %parallel_loop3A_452 = vector.broadcast %parallel_loop3A_451 : i32 to vector<16xi32>
        %parallel_loop3A_453 = arith.cmpi ne, %parallel_loop3A_450, %parallel_loop3A_452 : vector<16xi32>
        %parallel_loop3A_454 = arith.select %parallel_loop3A_453, %parallel_loop3A_209, %parallel_loop3A_202 : vector<16xi1>, vector<16xf32>
        %parallel_loop3A_455 = arith.constant 16 : i32
        %parallel_loop3A_456 = arith.muli %parallel_loop3A_195, %parallel_loop3A_455 : i32
        %parallel_loop3A_457 = arith.constant 14 : i32
        %parallel_loop3A_458 = arith.constant 0 : i32
        %parallel_loop3A_459 = tpu.memref_slice %arg8[%mul3A_34, %parallel_loop3A_458] : memref<32x1024xf32, #tpu.memory_space<vmem>> -> memref<16x1024xf32, #tpu.memory_space<vmem>>
        %parallel_loop3A_460 = arith.index_cast %parallel_loop3A_457 : i32 to index
        %parallel_loop3A_461 = arith.index_cast %parallel_loop3A_456 : i32 to index
        %parallel_loop3A_462 = tpu.vector_load %parallel_loop3A_459[%parallel_loop3A_460, %parallel_loop3A_461] {strides = array<i32>} : memref<16x1024xf32, #tpu.memory_space<vmem>>, vector<1x16xf32>,
        %parallel_loop3A_463 = vector.shape_cast %parallel_loop3A_462 : vector<1x16xf32> to vector<16xf32>
        %parallel_loop3A_464 = vector.shape_cast %parallel_loop3A_454 : vector<16xf32> to vector<1x16xf32>
        tpu.vector_store %parallel_loop3A_459[%parallel_loop3A_460, %parallel_loop3A_461], %parallel_loop3A_464 {strides = array<i32>} : memref<16x1024xf32, #tpu.memory_space<vmem>>, vector<1x16xf32>,
        %parallel_loop3A_465 = arith.constant 240 : index
        %parallel_loop3A_466 = tpu.vector_load %arg7[%parallel_loop3A_465] {strides = array<i32>} : memref<256xi32, #tpu.memory_space<vmem>>, vector<16xi32>,
        %parallel_loop3A_467 = vector.shape_cast %parallel_loop3A_466 : vector<16xi32> to vector<16xi32>
        %parallel_loop3A_468 = arith.constant 0 : i32
        %parallel_loop3A_469 = vector.broadcast %parallel_loop3A_468 : i32 to vector<16xi32>
        %parallel_loop3A_470 = arith.cmpi ne, %parallel_loop3A_467, %parallel_loop3A_469 : vector<16xi32>
        %parallel_loop3A_471 = arith.select %parallel_loop3A_470, %parallel_loop3A_209, %parallel_loop3A_202 : vector<16xi1>, vector<16xf32>
        %parallel_loop3A_472 = arith.constant 16 : i32
        %parallel_loop3A_473 = arith.muli %parallel_loop3A_195, %parallel_loop3A_472 : i32
        %parallel_loop3A_474 = arith.constant 15 : i32
        %parallel_loop3A_475 = arith.constant 0 : i32
        %parallel_loop3A_476 = tpu.memref_slice %arg8[%mul3A_34, %parallel_loop3A_475] : memref<32x1024xf32, #tpu.memory_space<vmem>> -> memref<16x1024xf32, #tpu.memory_space<vmem>>
        %parallel_loop3A_477 = arith.index_cast %parallel_loop3A_474 : i32 to index
        %parallel_loop3A_478 = arith.index_cast %parallel_loop3A_473 : i32 to index
        %parallel_loop3A_479 = tpu.vector_load %parallel_loop3A_476[%parallel_loop3A_477, %parallel_loop3A_478] {strides = array<i32>} : memref<16x1024xf32, #tpu.memory_space<vmem>>, vector<1x16xf32>,
        %parallel_loop3A_480 = vector.shape_cast %parallel_loop3A_479 : vector<1x16xf32> to vector<16xf32>
        %parallel_loop3A_481 = vector.shape_cast %parallel_loop3A_471 : vector<16xf32> to vector<1x16xf32>
        tpu.vector_store %parallel_loop3A_476[%parallel_loop3A_477, %parallel_loop3A_478], %parallel_loop3A_481 {strides = array<i32>} : memref<16x1024xf32, #tpu.memory_space<vmem>>, vector<1x16xf32>,
      } {sc.loop_unroll_factor = 4 : i64, sc.parallel_access}
      %mul3A_185 = arith.constant 16 : i32
      %mul3A_186 = arith.muli %scan3A_31, %mul3A_185 : i32
      %add3A_187 = arith.addi %mul3A_2, %mul3A_186 : i32
      %dma_start3A = arith.constant 0 : i32
      %dma_start3A_188 = tpu.memref_slice %arg8[%mul3A_34, %dma_start3A] : memref<32x1024xf32, #tpu.memory_space<vmem>> -> memref<16x1024xf32, #tpu.memory_space<vmem>>
      %dma_start3A_189 = arith.constant 0 : i32
      %dma_start3A_190 = tpu.memref_slice %arg4[%add3A_187, %dma_start3A_189] : memref<16384x1024xf32, #tpu.memory_space<hbm>> -> memref<16x1024xf32, #tpu.memory_space<hbm>>
      %dma_start3A_191 = arith.constant 0 : i32
      %dma_start3A_192 = tpu.memref_slice %arg4[%add3A_187, %dma_start3A_191] : memref<16384x1024xf32, #tpu.memory_space<hbm>> -> memref<16x1024xf32, #tpu.memory_space<hbm>>
      %dma_start3A_193 = arith.constant 0 : i32
      %dma_start3A_194 = tpu.memref_slice %arg8[%mul3A_34, %dma_start3A_193] : memref<32x1024xf32, #tpu.memory_space<vmem>> -> memref<16x1024xf32, #tpu.memory_space<vmem>>
      tpu.enqueue_dma source(%dma_start3A_194 : memref<16x1024xf32, #tpu.memory_space<vmem>>) target(%dma_start3A_192 : memref<16x1024xf32, #tpu.memory_space<hbm>>) target_semaphore(%arg9 : memref<!tpu.dma_semaphore, #tpu.memory_space<semaphore_mem>>)
    }
    %scan3A_7 = arith.constant 32 : i32
    %dma_wait3A = arith.constant 0 : i32
    %dma_wait3A_8 = arith.constant 0 : i32
    %dma_wait3A_9 = tpu.memref_slice %arg8[%dma_wait3A, %dma_wait3A_8] : memref<32x1024xf32, #tpu.memory_space<vmem>> -> memref<16x1024xf32, #tpu.memory_space<vmem>>
    %dma_wait3A_10 = arith.constant 0 : i32
    %dma_wait3A_11 = arith.constant 0 : i32
    %dma_wait3A_12 = tpu.memref_slice %arg4[%dma_wait3A_10, %dma_wait3A_11] : memref<16384x1024xf32, #tpu.memory_space<hbm>> -> memref<16x1024xf32, #tpu.memory_space<hbm>>
    %dma_wait3A_13 = arith.constant 0 : i32
    %dma_wait3A_14 = arith.constant 0 : i32
    %dma_wait3A_15 = tpu.memref_slice %arg4[%dma_wait3A_13, %dma_wait3A_14] : memref<16384x1024xf32, #tpu.memory_space<hbm>> -> memref<16x1024xf32, #tpu.memory_space<hbm>>
    %dma_wait3A_16 = arith.constant 0 : i32
    %dma_wait3A_17 = arith.constant 0 : i32
    %dma_wait3A_18 = tpu.memref_slice %arg8[%dma_wait3A_16, %dma_wait3A_17] : memref<32x1024xf32, #tpu.memory_space<vmem>> -> memref<16x1024xf32, #tpu.memory_space<vmem>>
    tpu.wait_dma2 semaphore(%arg9 : memref<!tpu.dma_semaphore, #tpu.memory_space<semaphore_mem>>) src(%dma_wait3A_18 : memref<16x1024xf32, #tpu.memory_space<vmem>>) dst(%dma_wait3A_15 : memref<16x1024xf32, #tpu.memory_space<hbm>>)
    %dma_wait3A_19 = arith.constant 0 : i32
    %dma_wait3A_20 = arith.constant 0 : i32
    %dma_wait3A_21 = tpu.memref_slice %arg8[%dma_wait3A_19, %dma_wait3A_20] : memref<32x1024xf32, #tpu.memory_space<vmem>> -> memref<16x1024xf32, #tpu.memory_space<vmem>>
    %dma_wait3A_22 = arith.constant 0 : i32
    %dma_wait3A_23 = arith.constant 0 : i32
    %dma_wait3A_24 = tpu.memref_slice %arg4[%dma_wait3A_22, %dma_wait3A_23] : memref<16384x1024xf32, #tpu.memory_space<hbm>> -> memref<16x1024xf32, #tpu.memory_space<hbm>>
    %dma_wait3A_25 = arith.constant 0 : i32
    %dma_wait3A_26 = arith.constant 0 : i32
    %dma_wait3A_27 = tpu.memref_slice %arg4[%dma_wait3A_25, %dma_wait3A_26] : memref<16384x1024xf32, #tpu.memory_space<hbm>> -> memref<16x1024xf32, #tpu.memory_space<hbm>>
    %dma_wait3A_28 = arith.constant 0 : i32
    %dma_wait3A_29 = arith.constant 0 : i32
    %dma_wait3A_30 = tpu.memref_slice %arg8[%dma_wait3A_28, %dma_wait3A_29] : memref<32x1024xf32, #tpu.memory_space<vmem>> -> memref<16x1024xf32, #tpu.memory_space<vmem>>
    tpu.wait_dma2 semaphore(%arg9 : memref<!tpu.dma_semaphore, #tpu.memory_space<semaphore_mem>>) src(%dma_wait3A_30 : memref<16x1024xf32, #tpu.memory_space<vmem>>) dst(%dma_wait3A_27 : memref<16x1024xf32, #tpu.memory_space<hbm>>)
    return
  }
}

</mosaic_0001>

<sc_bundles>
// kernel: kernel.3.cloned.1.call-start
scs
__scs_entry_jumppad:
0x0: {  	(pc) =	sbr.rel $0x88, $3  }
0x1: {  	(tag) =	ssettag $0x0;
	lr =	simm.s32 $0x1  }
0x2: {  	[smem:$0x3F9F] =	sst lr;
	_ =	strace $0xD0000000  }
0x3: {  	_ = 	snop  }
0x4: {  	_ = 	snop  }
0x5: {  	_ = 	snop  }
0x6: {  	_ = 	snop  }
0x7: {  	_ = 	snop  }
__scs_overlays_trampoline_lowered:
0x8: {  	[smem:$0x3FAE] =	sst s0  }
0x9: {  	[smem:$0x3FAF] =	sst s1  }
0xa: {  	[smem:$0x3FB0] =	sst s2  }
0xb: {  	[smem:$0x3FB1] =	sst s3  }
0xc: {  	[smem:$0x3FB2] =	sst s4  }
0xd: {  	[smem:$0x3FB3] =	sst s5  }
0xe: {  	[smem:$0x3FB4] =	sst s6  }
0xf: {  	[smem:$0x3FB5] =	sst s7  }
0x10: {  	[smem:$0x3FB6] =	sst s8  }
0x11: {  	[smem:$0x3FB7] =	sst s9;
	s0 =	simm.s32 @!p0 $0x0  }
0x12: {  	s1 =	sld [smem:$0x3F9D];
	s0 =	simm.s32 @p0 $0x1  }
0x13: {  	[smem:$0x3FB8] =	sst s0;
	s0 =	simm.s32 @!p1 $0x0  }
0x14: {  	s2 =	sld [smem:$0x3F9C];
	s0 =	simm.s32 @p1 $0x1  }
0x15: {  	[smem:$0x3FB9] =	sst s0;
	s0 =	simm.s32 @!p2 $0x0  }
0x16: {  	s3 =	sld [smem:$0x3FDB];
	s0 =	simm.s32 @p2 $0x1  }
0x17: {  	s4 =	simm.s32 $0x1BF5;
	[smem:$0x3FBB] =	sst s0  }
0x18: {  	s0 =	sld [smem:$0x3F9E];
	_ =	swait.ge [sflag:s4], $0x0  }
0x19: {  	s7 =	sld [smem:$0x3F9F]  }
0x1a: {  	s8 =	sadd.s32 $0xFFFFE003, lr  }
0x1b: {  	s9 =	sadd.s32 $0xFFFFFEF7, lr;
	s5 =	simm.s32 $0xFFFFFFFF;
	p2 =	slt.u32 s8, $0xFFFFF086  }
0x1c: {  	p1 =	slt.u32 s9, $0xF7A;
	s5 =	simm.s32 @!p2 $0x0  }
0x1d: {  	s5 =	simm.s32 @p1 $0x1;
	p0 =	seq.s32 s7, s2  }
0x1e: {  	s7 =	smul.u32 @!p0 $0xF7A, s2;
	p2 =	seq.s32 @!p0 s5, $0x0  }
0x1f: {  	s9 =	smul.u32 $0xF7A, s1;
	s8 =	simm.s32 @!p0 $0x1BF5;
	p2 =	por !p2, p0  }
0x20: {  	[sflag:s8] =	ssyncset.s32 @!p0 $0xFFFFF086;
	s6 =	sadd.s32 @!p0 s3, s7;
	s7 =	simm.s32 @!p0 $0x108  }
0x21: {  	s3 =	sadd.s32 s3, s9;
	s6 =	sadd.s32 @!p0 $0x88, s6;
	s7 =	simm.s32 @p2 $0x1082  }
0x22: {  	[simem:s7], [sflag:s8] =	dma.local @!p0 [hbm:s6], $0xF7A  }
0x23: {  	s9 =	sor.u32 $0xD0000000, s2;
	s6 =	simm.s32 $0x108;
	_ =	swait.ge @!p0 [sflag:s8], $0x0  }
0x24: {  	s3 =	sadd.s32 $0x88, s3;
	s6 =	simm.s32 @!p1 $0x1082;
	[sflag:s4] =	ssyncset.s32 $0xFFFFF086  }
0x25: {  	[simem:s6], [sflag:s4] =	dma.local [hbm:s3], $0xF7A  }
0x26: {  	[smem:$0x3F9F] =	sst s1;
	(tag) =	ssettag s2;
	_ =	strace s9  }
0x27: {  	s1 =	sld [smem:$0x3FAF]  }
0x28: {  	s2 =	sld [smem:$0x3FB0]  }
0x29: {  	s4 =	sld [smem:$0x3FB2]  }
0x2a: {  	p0 =	seq.s32 s5, $0x0;
	s5 =	sld [smem:$0x3FB3]  }
0x2b: {  	s6 =	sld [smem:$0x3FB4]  }
0x2c: {  	s7 =	sld [smem:$0x3FB5]  }
0x2d: {  	s3 =	simm.s32 $0x108;
	s8 =	sld [smem:$0x3FB6]  }
0x2e: {  	s3 =	simm.s32 @!p0 $0x1082;
	s9 =	sld [smem:$0x3FB7]  }
0x2f: {  	lr =	sadd.s32 s0, s3;
	s0 =	sld [smem:$0x3FAE]  }
0x30: {  	s3 =	sld [smem:$0x3FB1]  }
0x31: {  	[smem:$0x3FBA] =	sst s10  }
0x32: {  	s10 =	sld [smem:$0x3FB8];
	_ =	sdelay $0x3  }
0x33: {  	p0 =	seq.s32 s10, $0x1;
	s10 =	sld [smem:$0x3FBA];
	_ =	sdelay $0x3  }
0x34: {  	[smem:$0x3FBA] =	sst s10  }
0x35: {  	s10 =	sld [smem:$0x3FB9];
	_ =	sdelay $0x3  }
0x36: {  	p1 =	seq.s32 s10, $0x1;
	s10 =	sld [smem:$0x3FBA];
	_ =	sdelay $0x3  }
0x37: {  	[smem:$0x3FBA] =	sst s10  }
0x38: {  	s10 =	sld [smem:$0x3FBB]  }
0x39: {  	_ = 	snop;
	(pc) =	sbr.ind lr, $3  }
0x3a: {  	_ = 	snop  }
0x3b: {  	_ = 	snop  }
0x3c: {  	p2 =	seq.s32 s10, $0x1;
	s10 =	sld [smem:$0x3FBA]  }
0x3d: {  	_ =	shalt  }
0x3e: {  	_ =	shalt  }
0x3f: {  	_ =	shalt  }
0x40: {  	_ =	shalt  }
0x41: {  	_ =	shalt  }
0x42: {  	_ =	shalt  }
0x43: {  	_ =	shalt  }
0x44: {  	_ =	shalt  }
0x45: {  	_ =	shalt  }
0x46: {  	_ =	shalt  }
0x47: {  	_ =	shalt  }
0x48: {  	_ =	shalt  }
0x49: {  	_ =	shalt  }
0x4a: {  	_ =	shalt  }
0x4b: {  	_ =	shalt  }
0x4c: {  	_ =	shalt  }
0x4d: {  	_ =	shalt  }
0x4e: {  	_ =	shalt  }
0x4f: {  	_ =	shalt  }
0x50: {  	_ =	shalt  }
0x51: {  	_ =	shalt  }
0x52: {  	_ =	shalt  }
0x53: {  	_ =	shalt  }
0x54: {  	_ =	shalt  }
0x55: {  	_ =	shalt  }
0x56: {  	_ =	shalt  }
0x57: {  	_ =	shalt  }
0x58: {  	_ =	shalt  }
0x59: {  	_ =	shalt  }
0x5a: {  	_ =	shalt  }
0x5b: {  	_ =	shalt  }
0x5c: {  	_ =	shalt  }
0x5d: {  	_ =	shalt  }
0x5e: {  	_ =	shalt  }
0x5f: {  	_ =	shalt  }
0x60: {  	_ =	shalt  }
0x61: {  	_ =	shalt  }
0x62: {  	_ =	shalt  }
0x63: {  	_ =	shalt  }
0x64: {  	_ =	shalt  }
0x65: {  	_ =	shalt  }
0x66: {  	_ =	shalt  }
0x67: {  	_ =	shalt  }
0x68: {  	_ =	shalt  }
0x69: {  	_ =	shalt  }
0x6a: {  	_ =	shalt  }
0x6b: {  	_ =	shalt  }
0x6c: {  	_ =	shalt  }
0x6d: {  	_ =	shalt  }
0x6e: {  	_ =	shalt  }
0x6f: {  	_ =	shalt  }
0x70: {  	_ =	shalt  }
0x71: {  	_ =	shalt  }
0x72: {  	_ =	shalt  }
0x73: {  	_ =	shalt  }
0x74: {  	_ =	shalt  }
0x75: {  	_ =	shalt  }
0x76: {  	_ =	shalt  }
0x77: {  	_ =	shalt  }
0x78: {  	_ =	shalt  }
0x79: {  	_ =	shalt  }
0x7a: {  	_ =	shalt  }
0x7b: {  	_ =	shalt  }
0x7c: {  	_ =	shalt  }
0x7d: {  	_ =	shalt  }
0x7e: {  	_ =	shalt  }
0x7f: {  	_ =	shalt  }
0x80: {  	_ =	shalt  }
0x81: {  	_ =	shalt  }
0x82: {  	_ =	shalt  }
0x83: {  	_ =	shalt  }
0x84: {  	_ =	shalt  }
0x85: {  	_ =	shalt  }
0x86: {  	_ =	shalt  }
0x87: {  	_ =	shalt  }
.Lfunc_end0:
.L_simem_size_0:
called_computation_lowered:
.L_overlay_start_0:
0x88: {  	s2 =	sld [smem:$0x3FD9]  }
0x89: {  	s3 =	sld [smem:$0x3FFE];
	_ =	sdelay $0x1  }
0x8a: {  	s1 =	srdreg.scid  }
0x8b: {  	s0 =	sand.u32 $0x1, s1  }
0x8c: {  	s17 =	sshll.u32 s0, $0xA;
	s2 =	sadd.s32 s3, s2  }
0x8d: {  	s2 =	sadd.s32 s2, s17  }
0x8e: {  	[smem:$0x3FC6] =	sst s2  }
0x8f: {  	_ = 	snop  }
0x90: {  	s2 =	sld [smem:$0x3FC8]  }
0x91: {  	s18 =	sld [smem:$0x3FD0];
	(tm) =	ssettm $0x1  }
0x92: {  	s4 =	sld [smem:$0x3FFB];
	_ =	sdelay $0x3  }
0x93: {  	_ =	strace s4  }
0x94: {  	s4 =	sld [smem:$0x3FFC];
	_ =	sdelay $0x3  }
0x95: {  	_ =	strace s4  }
0x96: {  	s4 =	sld [smem:$0x3FFD];
	_ =	sdelay $0x3  }
0x97: {  	_ =	strace s4  }
0x98: {  	_ =	strace $0x8FFFFFFF  }
0x99: {  	s19 =	sld [smem:$0x3FDB];
	_ =	sdelay $0x1  }
0x9a: {  	s5 =	simm.s32 $_scs_section_size  }
0x9b: {  	s6 =	simm.s32 $_size__tile_overlayer_lowered;
	s7 =	simm.s32 $_tile_overlayer_lowered  }
0x9c: {  	s22 =	simm.s32 $0x1BFF;
	s21 =	sshll.u32 s7, $0x1;
	s4 =	sadd.s32 s5, s19  }
0x9d: {  	s8 =	simm.s32 $0x0;
	s20 =	sshll.u32 s6, $0x1;
	s6 =	sadd.s32 s21, s4  }
0x9e: {  	[timem:s8], [sflag:s22] =	dma.local [hbm:s6], s20  }
0x9f: {  	_ =	swait.ge [sflag:s22], s20  }
0xa0: {  	s5 =	ssub.s32 $0x0, s20;
	[sflag:s22] =	ssyncset.done $0x0  }
0xa1: {  	[sflag:s22] =	ssyncadd.s32 s5;
	_ =	sdelay $0x1  }
0xa2: {  	s23 =	simm.s32 $0x1B8B  }
0xa3: {  	_ =	swait.ge [sflag:s23], $0x1  }
0xa4: {  	[sflag:s23] =	ssyncset.done $0x0  }
0xa5: {  	s25 =	simm.s32 $0x1B8E;
	s24 =	sld [smem:$0x3FFE];
	[sflag:s23] =	ssyncadd.s32 $0xFFFFFFFF  }
0xa6: {  	s26 =	simm.s32 $execute0_lowered;
	[smem:$0x3FD2] =	sst s25  }
0xa7: {  	s6 =	sshll.u32 s26, $0x1;
	_ =	strace $0x80000046;
	[dreg:$0x1] =	wrdreg $0xFFFFFFFF  }
0xa8: {  	s28 =	simm.s32 $_size_execute0_lowered;
	s4 =	sadd.s32 s4, s6;
	[dreg:$0x0] =	wrdreg $0x0  }
0xa9: {  	s6 =	sshll.u32 s28, $0x1;
	[dreg:$0x2] =	wrdreg s4  }
0xaa: {  	[dreg:$0x3] =	wrdreg s6  }
0xab: {  	[dreg:$0x4] =	wrdreg $0xC0  }
0xac: {  	_ =	task [dreg:s8], $0x5FFFF  }
0xad: {  	[dreg:$0x1] =	wrdreg $0xFFFFFFFF  }
0xae: {  	[dreg:$0x0] =	wrdreg $0x60  }
0xaf: {  	[dreg:$0x2] =	wrdreg s24  }
0xb0: {  	[dreg:$0x3] =	wrdreg s2  }
0xb1: {  	[dreg:$0x4] =	wrdreg s18  }
0xb2: {  	[dreg:$0x5] =	wrdreg $0x9  }
0xb3: {  	_ =	task.clear_ibuf [dreg:s8], $0x6FFFF;
	_ =	strace $0x90000046  }
0xb4: {  	s29 =	simm.s32 $0x9;
	_ =	strace $0x80000048  }
0xb5: {  	_ =	swait.ge [sflag:s29], $0x1  }
0xb6: {  	[sflag:s29] =	ssyncadd.s32 $0xFFFFFFFF  }
0xb7: {  	_ =	strace $0x90000048  }
0xb8: {  	_ =	sfence  }
0xb9: {  	s30 =	sld [smem:$0x0];
	_ =	sdelay $0x2  }
0xba: {  	s31 =	sshll.u32 s1, $0xD;
	s1 =	sshrl.u32 s1, $0x2  }
0xbb: {  	s3 =	sand.u32 $0x4000, s31;
	s1 =	sadd.s32 s1, s30  }
0xbc: {  	s0 =	sor.u32 s3, s0;
	s1 =	sshll.u32 s1, $0x11  }
0xbd: {  	s0 =	sor.u32 s1, s0  }
0xbe: {  	s0 =	sadd.s32 $0x8F2B, s0  }
0xbf: {  	[sflag:s0] =	ssyncadd.remote.s32 $0x1  }
0xc0: {  	_ =	sfence.sel $0xFFFF  }
0xc1: {  	[dreg:$0x0] =	wrdreg $0xFFFFFFFF;
	(pc) =	sbr.abs _section_cstart, $3  }
0xc2: {  	[dreg:$0x1] =	wrdreg $0xFFFFFFFF  }
0xc3: {  	_ =	task.clear_ibuf [dreg:s8], $0x2FFFF;
	_ =	strace $0x9FFFFFFF  }
0xc4: {  	(tm) =	ssettm $0x7FFFFFFF  }
0xc5: {  	_ =	shalt  }
tec
execute0_lowered:
.L_overlay_start_1:
0x0: {  	(tag) =	ssettag $0x1  }
0x1: {  	s1 =	srdreg.scid  }
0x2: {  	s0 =	rddreg [dreg:$0x0];
	s2 =	stileid.u32;
	s1 =	sand.u32 $0x1, s1  }
0x3: {  	v0 =	vimm.s32 $0x0;
	s2 =	sshll.u32 s2, $0xA;
	s3 =	sshll.u32 s1, $0x9;
	s1 =	ssub.s32 $0x2, s1  }
0x4: {  	s4 =	simm.s32 $0x0;
	v1 =	vimm.s32 $0x1;
	v2 =	vimm.s32 $0x2;
	v3 =	vimm.s32 $0x3;
	s2 =	sor.u32 s3, s2;
	s30 =	sshrl.u32 s1, $0x1  }
0x5: {  	v4 =	vimm.s32 $0x4;
	v5 =	vimm.s32 $0x5;
	v6 =	vimm.s32 $0x6;
	[dreg:$0x4] =	wrdreg s2;
	s2 =	sshrl.u32 s2, $0x3;
	s1 =	ssub.s32 s1, s30  }
0x6: {  	v7 =	vimm.s32 $0x7;
	v8 =	vimm.s32 $0x8;
	v9 =	vimm.s32 $0x9;
	[smem:$0x7FF] =	sst s4;
	s0 =	sadd.s32 s2, s0;
	s31 =	smax.u32 s1, $0x1  }
0x7: {  	v10 =	vimm.s32 $0xA;
	v11 =	vimm.s32 $0xB;
	v12 =	vimm.s32 $0xC;
	_ =	strace $0x80000047;
	s0 =	sadd.s32 $0x400, s0;
	[dreg:$0x6] =	wrdreg s31  }
0x8: {  	v13 =	vimm.s32 $0xD;
	v14 =	vimm.s32 $0xE;
	v15 =	vimm.s32 $0xF;
	s2 =	simm.s32 $0x0;
	[dreg:$0x5] =	wrdreg s0  }
.LBB2_1:
0x9: {  	[dreg:$0x7] =	wrdreg s2  }
0xa: {  	s1 =	simm.s32 $0x0;
	s0 =	rddreg [dreg:$0x5];
	s30 =	simm.s32 $0x2  }
0xb: {  	[tilespmem:s1], [sflag:$0x2] =	stream.linear.gather [hbm4b:s0+s1], $0x200, $0x38;
	[tilespmem:$0x8B00] =	vst v63  }
0xc: {  	_ =	swait.ge [sflag:s30], $0x200  }
0xd: {  	[sflag:s30] =	ssyncset.done $0x0  }
0xe: {  	[sflag:s30] =	ssyncadd.s32 $0xFFFFFE00  }
0xf: {  	s3 =	simm.s32 $0x200;
	s31 =	rddreg [dreg:$0x1]  }
0x10: {  	[tilespmem:s3], [sflag:$0x2] =	stream.linear.gather [hbm4b:s31+s1], $0x800, $0x38;
	[tilespmem:$0x8B00] =	vst v63  }
0x11: {  	_ =	swait.ge [sflag:s30], $0x800  }
0x12: {  	[sflag:s30] =	ssyncset.done $0x0  }
0x13: {  	s12 =	simm.s32 $0x0;
	[sflag:s30] =	ssyncadd.s32 $0xFFFFF800  }
.LBB2_2:
0x14: {  	p0 =	slt.u32 s12, $0x2  }
0x15: {  	s0 =	simm.s32 @!p0 $0x1  }
0x16: {  	_ =	swait.ge @!p0 [sflag:s0], $0x4000  }
0x17: {  	[sflag:s0] =	ssyncset.done @!p0 $0x0  }
0x18: {  	s13 =	sshll.u32 s12, $0x4;
	[sflag:s0] =	ssyncadd.s32 @!p0 $0xFFFFC000  }
0x19: {  	v16 =	vld [tilespmem:s13+$0x0];
	_ =	sdelay $0x4  }
0x1a: {  	v17 =	vperm.xlane v16, v0  }
0x1b: {  	v18 =	vperm.xlane v16, v1  }
0x1c: {  	[tilespmem:$0xA00] =	vst v17;
	v17 =	vperm.xlane v16, v2  }
0x1d: {  	[tilespmem:$0xA10] =	vst v18;
	v18 =	vperm.xlane v16, v3  }
0x1e: {  	[tilespmem:$0xA20] =	vst v17;
	v17 =	vperm.xlane v16, v4  }
0x1f: {  	[tilespmem:$0xA30] =	vst v18;
	v18 =	vperm.xlane v16, v5  }
0x20: {  	[tilespmem:$0xA40] =	vst v17;
	v17 =	vperm.xlane v16, v6  }
0x21: {  	[tilespmem:$0xA50] =	vst v18;
	v18 =	vperm.xlane v16, v7  }
0x22: {  	[tilespmem:$0xA60] =	vst v17;
	v17 =	vperm.xlane v16, v8  }
0x23: {  	[tilespmem:$0xA70] =	vst v18;
	v18 =	vperm.xlane v16, v9  }
0x24: {  	[tilespmem:$0xA80] =	vst v17;
	v17 =	vperm.xlane v16, v10  }
0x25: {  	[tilespmem:$0xA90] =	vst v18;
	v18 =	vperm.xlane v16, v11  }
0x26: {  	[tilespmem:$0xAA0] =	vst v17;
	v17 =	vperm.xlane v16, v12  }
0x27: {  	[tilespmem:$0xAB0] =	vst v18;
	v18 =	vperm.xlane v16, v13  }
0x28: {  	s16 =	simm.s32 $0x0;
	s1 =	simm.s32 $0x0;
	[tilespmem:$0xAC0] =	vst v17;
	v17 =	vperm.xlane v16, v14  }
0x29: {  	s23 =	sand.u32 $0x40, s16;
	s17 =	sand.u32 $0xFFFFFF00, s1;
	[tilespmem:$0xAD0] =	vst v18;
	v16 =	vperm.xlane v16, v15  }
0x2a: {  	s1 =	sadd.s32 $0x200, s17;
	s17 =	sor.u32 $0x30, s23;
	[tilespmem:$0xAE0] =	vst v17  }
0x2b: {  	s0 =	sor.u32 s17, s1;
	[tilespmem:$0xAF0] =	vst v16;
	v16 =	vld [tilespmem:$0xA00]  }
0x2c: {  	v28 =	vld [tilespmem:s0+$0x0]  }
0x2d: {  	v30 =	vld [tilespmem:s0+$0x80]  }
0x2e: {  	s18 =	sshll.u32 s12, $0xE  }
0x2f: {  	s3 =	simm.s32 $0x0;
	s2 =	sor.u32 s23, s1;
	s0 =	sand.u32 $0x4000, s18  }
0x30: {  	s19 =	sand.u32 $0x3FFFFC00, s3;
	s21 =	sor.u32 $0x10, s23;
	v36 =	vld [tilespmem:s2+$0x0];
	s14 =	sor.u32 $0xB00, s0  }
0x31: {  	s4 =	sor.u32 s21, s1;
	v37 =	vld [tilespmem:s2+$0x80];
	s18 =	sadd.s32 s19, s14;
	vm0 =	veq.s32 v16, $0x0  }
0x32: {  	v18 =	vld [tilespmem:s4+$0x0];
	s0 =	sadd.s32 s17, s18;
	v16 =	vsel vm0, v28, v30  }
0x33: {  	v19 =	vld [tilespmem:s4+$0x80];
	[tilespmem:s0+$0x0] =	vst v16  }
0x34: {  	v20 =	vld [tilespmem:$0xA10]  }
0x35: {  	s22 =	sor.u32 $0x20, s23  }
0x36: {  	s20 =	sor.u32 s22, s1  }
0x37: {  	v17 =	vld [tilespmem:s20+$0x80]  }
0x38: {  	s24 =	sadd.s32 s23, s18;
	v21 =	vsel vm0, v36, v37;
	v16 =	vld [tilespmem:s20+$0x0]  }
0x39: {  	s25 =	sadd.s32 s21, s18;
	[tilespmem:s24+$0x0] =	vst v21;
	v21 =	vsel vm0, v18, v19;
	vm1 =	veq.s32 v20, $0x0  }
0x3a: {  	v22 =	vld [tilespmem:$0xA10];
	[tilespmem:s25+$0x0] =	vst v21;
	v20 =	vsel vm1, v28, v30  }
0x3b: {  	v21 =	vld [tilespmem:$0xA10];
	[tilespmem:s0+$0x80] =	vst v20  }
0x3c: {  	v20 =	vld [tilespmem:$0xA20]  }
0x3d: {  	s8 =	sadd.s32 s22, s18;
	v23 =	vsel vm0, v16, v17  }
0x3e: {  	[tilespmem:s8+$0x0] =	vst v23  }
0x3f: {  	vm0 =	veq.s32 v22, $0x0;
	v22 =	vld [tilespmem:$0xA10]  }
0x40: {  	v23 =	vsel vm0, v36, v37;
	vm0 =	veq.s32 v21, $0x0  }
0x41: {  	[tilespmem:s24+$0x80] =	vst v23;
	v21 =	vsel vm0, v18, v19;
	vm0 =	veq.s32 v20, $0x0  }
0x42: {  	v23 =	vld [tilespmem:$0xA20];
	[tilespmem:s25+$0x80] =	vst v21;
	v20 =	vsel vm0, v28, v30  }
0x43: {  	v21 =	vld [tilespmem:$0xA20];
	[tilespmem:s0+$0x100] =	vst v20  }
0x44: {  	vm1 =	veq.s32 v22, $0x0;
	v20 =	vld [tilespmem:$0xA30]  }
0x45: {  	v22 =	vsel vm1, v16, v17  }
0x46: {  	[tilespmem:s8+$0x80] =	vst v22  }
0x47: {  	vm0 =	veq.s32 v23, $0x0;
	v22 =	vld [tilespmem:$0xA20]  }
0x48: {  	v23 =	vsel vm0, v36, v37;
	vm0 =	veq.s32 v21, $0x0  }
0x49: {  	[tilespmem:s24+$0x100] =	vst v23;
	v21 =	vsel vm0, v18, v19;
	vm0 =	veq.s32 v20, $0x0  }
0x4a: {  	v23 =	vld [tilespmem:$0xA30];
	[tilespmem:s25+$0x100] =	vst v21;
	v20 =	vsel vm0, v28, v30  }
0x4b: {  	v21 =	vld [tilespmem:$0xA30];
	[tilespmem:s0+$0x180] =	vst v20  }
0x4c: {  	vm1 =	veq.s32 v22, $0x0;
	v20 =	vld [tilespmem:$0xA40]  }
0x4d: {  	v22 =	vsel vm1, v16, v17  }
0x4e: {  	[tilespmem:s8+$0x100] =	vst v22  }
0x4f: {  	vm0 =	veq.s32 v23, $0x0;
	v22 =	vld [tilespmem:$0xA30]  }
0x50: {  	v23 =	vsel vm0, v36, v37;
	vm0 =	veq.s32 v21, $0x0  }
0x51: {  	[tilespmem:s24+$0x180] =	vst v23;
	v21 =	vsel vm0, v18, v19;
	vm0 =	veq.s32 v20, $0x0  }
0x52: {  	v23 =	vld [tilespmem:$0xA40];
	[tilespmem:s25+$0x180] =	vst v21;
	v20 =	vsel vm0, v28, v30  }
0x53: {  	v21 =	vld [tilespmem:$0xA40];
	[tilespmem:s0+$0x200] =	vst v20  }
0x54: {  	vm1 =	veq.s32 v22, $0x0;
	v20 =	vld [tilespmem:$0xA50]  }
0x55: {  	v22 =	vsel vm1, v16, v17  }
0x56: {  	[tilespmem:s8+$0x180] =	vst v22  }
0x57: {  	vm0 =	veq.s32 v23, $0x0;
	v22 =	vld [tilespmem:$0xA40]  }
0x58: {  	v23 =	vsel vm0, v36, v37;
	vm0 =	veq.s32 v21, $0x0  }
0x59: {  	[tilespmem:s24+$0x200] =	vst v23;
	v21 =	vsel vm0, v18, v19;
	vm0 =	veq.s32 v20, $0x0  }
0x5a: {  	v23 =	vld [tilespmem:$0xA50];
	[tilespmem:s25+$0x200] =	vst v21;
	v20 =	vsel vm0, v28, v30  }
0x5b: {  	v21 =	vld [tilespmem:$0xA50];
	[tilespmem:s0+$0x280] =	vst v20  }
0x5c: {  	vm1 =	veq.s32 v22, $0x0;
	v20 =	vld [tilespmem:$0xA60]  }
0x5d: {  	v22 =	vsel vm1, v16, v17  }
0x5e: {  	[tilespmem:s8+$0x200] =	vst v22  }
0x5f: {  	vm0 =	veq.s32 v23, $0x0;
	v22 =	vld [tilespmem:$0xA50]  }
0x60: {  	v23 =	vsel vm0, v36, v37;
	vm0 =	veq.s32 v21, $0x0  }
0x61: {  	s7 =	simm.s32 $0x80;
	s9 =	simm.s32 $0x40;
	[tilespmem:s24+$0x280] =	vst v23;
	v21 =	vsel vm0, v18, v19;
	vm0 =	veq.s32 v20, $0x0  }
0x62: {  	s26 =	sand.u32 $0x40, s9;
	s3 =	sand.u32 $0xFFFFFF00, s7;
	v23 =	vld [tilespmem:$0xA60];
	[tilespmem:s25+$0x280] =	vst v21;
	v20 =	vsel vm0, v28, v30  }
0x63: {  	s3 =	sadd.s32 $0x200, s3;
	s29 =	sor.u32 $0x30, s26;
	v21 =	vld [tilespmem:$0xA60];
	[tilespmem:s0+$0x300] =	vst v20  }
0x64: {  	s10 =	sor.u32 s29, s3;
	vm1 =	veq.s32 v22, $0x0;
	v20 =	vld [tilespmem:$0xA70]  }
0x65: {  	v34 =	vld [tilespmem:s10+$0x0];
	v22 =	vsel vm1, v16, v17  }
0x66: {  	v35 =	vld [tilespmem:s10+$0x80];
	[tilespmem:s8+$0x280] =	vst v22  }
0x67: {  	s15 =	sor.u32 s26, s3;
	vm0 =	veq.s32 v23, $0x0;
	v22 =	vld [tilespmem:$0xA60]  }
0x68: {  	s30 =	sor.u32 $0x10, s26;
	v25 =	vld [tilespmem:s15+$0x80];
	v23 =	vsel vm0, v36, v37;
	vm0 =	veq.s32 v21, $0x0  }
0x69: {  	s5 =	sor.u32 s30, s3;
	v21 =	vsel vm0, v18, v19;
	vm0 =	veq.s32 v20, $0x0;
	v20 =	vld [tilespmem:$0xA00]  }
0x6a: {  	v24 =	vld [tilespmem:s5+$0x80];
	[tilespmem:s24+$0x300] =	vst v23  }
0x6b: {  	v23 =	vld [tilespmem:$0xA70];
	[tilespmem:s25+$0x300] =	vst v21;
	v21 =	vsel vm0, v28, v30  }
0x6c: {  	s11 =	simm.s32 $0x200;
	v26 =	vld [tilespmem:$0xA70];
	vm1 =	veq.s32 v22, $0x0;
	[tilespmem:s0+$0x380] =	vst v21  }
0x6d: {  	v22 =	vsel vm1, v16, v17;
	s0 =	sand.u32 $0x3FFFFC00, s11;
	v21 =	vld [tilespmem:$0xA80]  }
0x6e: {  	[tilespmem:s8+$0x300] =	vst v22;
	v22 =	vld [tilespmem:s15+$0x0];
	s0 =	sadd.s32 s0, s14;
	vm0 =	veq.s32 v20, $0x0  }
0x6f: {  	v27 =	vld [tilespmem:$0xA70];
	s7 =	sadd.s32 s29, s0;
	v29 =	vsel vm0, v34, v35  }
0x70: {  	s31 =	sor.u32 $0x20, s26;
	vm1 =	veq.s32 v23, $0x0;
	v20 =	vld [tilespmem:s5+$0x0];
	[tilespmem:s7+$0x0] =	vst v29  }
0x71: {  	s3 =	sor.u32 s31, s3;
	v23 =	vsel vm1, v36, v37;
	v29 =	vld [tilespmem:$0xA10]  }
0x72: {  	s16 =	sadd.s32 $0x2000, s18;
	[tilespmem:s24+$0x380] =	vst v23;
	v23 =	vld [tilespmem:s3+$0x80];
	vm1 =	veq.s32 v21, $0x0  }
0x73: {  	s19 =	sadd.s32 s17, s16;
	v32 =	vld [tilespmem:$0xA80];
	v31 =	vsel vm1, v28, v30  }
0x74: {  	s6 =	sadd.s32 s26, s0;
	v21 =	vld [tilespmem:s3+$0x0];
	[tilespmem:s19+$0x0] =	vst v31;
	v31 =	vsel vm0, v22, v25  }
0x75: {  	s2 =	sadd.s32 s30, s0;
	vm1 =	veq.s32 v26, $0x0;
	v26 =	vld [tilespmem:$0xA90];
	[tilespmem:s6+$0x0] =	vst v31;
	v31 =	vsel vm0, v20, v24  }
0x76: {  	v33 =	vsel vm1, v18, v19;
	v38 =	vld [tilespmem:$0xA10];
	[tilespmem:s2+$0x0] =	vst v31;
	vm1 =	veq.s32 v29, $0x0  }
0x77: {  	[tilespmem:s25+$0x380] =	vst v33;
	v29 =	vsel vm1, v34, v35;
	vm1 =	veq.s32 v27, $0x0;
	v27 =	vld [tilespmem:$0xA10]  }
0x78: {  	v33 =	vld [tilespmem:$0xA80];
	v31 =	vsel vm1, v16, v17;
	[tilespmem:s7+$0x80] =	vst v29  }
0x79: {  	s1 =	sadd.s32 s31, s0;
	v29 =	vsel vm0, v21, v23;
	vm0 =	veq.s32 v32, $0x0;
	[tilespmem:s8+$0x380] =	vst v31;
	v31 =	vld [tilespmem:$0xA20]  }
0x7a: {  	s20 =	sadd.s32 s23, s16;
	s24 =	sadd.s32 $0x2080, s18;
	vm1 =	veq.s32 v26, $0x0;
	[tilespmem:s1+$0x0] =	vst v29;
	v29 =	vsel vm0, v36, v37;
	v26 =	vld [tilespmem:$0xA80]  }
0x7b: {  	s25 =	sadd.s32 s17, s24;
	v59 =	vsel vm1, v28, v30;
	vm0 =	veq.s32 v38, $0x0;
	v60 =	vld [tilespmem:$0xA10];
	[tilespmem:s20+$0x0] =	vst v29  }
0x7c: {  	[tilespmem:s25+$0x0] =	vst v59;
	v29 =	vsel vm0, v22, v25;
	vm0 =	veq.s32 v27, $0x0;
	v27 =	vld [tilespmem:$0xA90]  }
0x7d: {  	v32 =	vld [tilespmem:$0xAA0];
	[tilespmem:s6+$0x80] =	vst v29;
	v29 =	vsel vm0, v20, v24;
	vm0 =	veq.s32 v33, $0x0  }
0x7e: {  	s9 =	sadd.s32 s21, s16;
	v61 =	vld [tilespmem:$0xA20];
	[tilespmem:s2+$0x80] =	vst v29;
	v29 =	vsel vm0, v18, v19;
	vm0 =	veq.s32 v31, $0x0  }
0x7f: {  	vm1 =	veq.s32 v26, $0x0;
	v26 =	vld [tilespmem:$0xA20];
	[tilespmem:s9+$0x0] =	vst v29;
	v29 =	vsel vm0, v34, v35  }
0x80: {  	s4 =	sadd.s32 s22, s16;
	vm0 =	veq.s32 v60, $0x0;
	v31 =	vsel vm1, v16, v17;
	v62 =	vld [tilespmem:$0xA90];
	[tilespmem:s7+$0x100] =	vst v29  }
0x81: {  	v29 =	vsel vm0, v21, v23;
	[tilespmem:s4+$0x0] =	vst v31;
	vm0 =	veq.s32 v27, $0x0;
	v27 =	vld [tilespmem:$0xA30]  }
0x82: {  	s11 =	sadd.s32 $0x2100, s18;
	s10 =	sadd.s32 s23, s24;
	vm1 =	veq.s32 v32, $0x0;
	[tilespmem:s1+$0x80] =	vst v29;
	v31 =	vld [tilespmem:$0xA90];
	v29 =	vsel vm0, v36, v37  }
0x83: {  	s15 =	sadd.s32 s17, s11;
	v32 =	vsel vm1, v28, v30;
	vm0 =	veq.s32 v61, $0x0;
	v63 =	vld [tilespmem:$0xA20];
	[tilespmem:s10+$0x0] =	vst v29  }
0x84: {  	[tilespmem:s15+$0x0] =	vst v32;
	v29 =	vsel vm0, v22, v25;
	vm0 =	veq.s32 v26, $0x0;
	v26 =	vld [tilespmem:$0xAA0]  }
0x85: {  	v32 =	vld [tilespmem:$0xAB0];
	[tilespmem:s6+$0x100] =	vst v29;
	v29 =	vsel vm0, v20, v24;
	vm0 =	veq.s32 v62, $0x0  }
0x86: {  	s16 =	sadd.s32 s21, s24;
	v40 =	vld [tilespmem:$0xA30];
	[tilespmem:s2+$0x100] =	vst v29;
	v29 =	vsel vm0, v18, v19;
	vm0 =	veq.s32 v27, $0x0  }
0x87: {  	vm1 =	veq.s32 v31, $0x0;
	v27 =	vld [tilespmem:$0xA30];
	[tilespmem:s16+$0x0] =	vst v29;
	v29 =	vsel vm0, v34, v35  }
0x88: {  	s3 =	sadd.s32 s22, s24;
	vm0 =	veq.s32 v63, $0x0;
	v31 =	vsel vm1, v16, v17;
	v41 =	vld [tilespmem:$0xAA0];
	[tilespmem:s7+$0x180] =	vst v29  }
0x89: {  	v29 =	vsel vm0, v21, v23;
	[tilespmem:s3+$0x0] =	vst v31;
	vm0 =	veq.s32 v26, $0x0;
	v26 =	vld [tilespmem:$0xA40]  }
0x8a: {  	s19 =	sadd.s32 s23, s11;
	s20 =	sadd.s32 $0x2180, s18;
	vm1 =	veq.s32 v32, $0x0;
	[tilespmem:s1+$0x100] =	vst v29;
	v31 =	vld [tilespmem:$0xAA0];
	v29 =	vsel vm0, v36, v37  }
0x8b: {  	s24 =	sadd.s32 s17, s20;
	v32 =	vsel vm1, v28, v30;
	vm0 =	veq.s32 v40, $0x0;
	v42 =	vld [tilespmem:$0xA30];
	[tilespmem:s19+$0x0] =	vst v29  }
0x8c: {  	[tilespmem:s24+$0x0] =	vst v32;
	v29 =	vsel vm0, v22, v25;
	vm0 =	veq.s32 v27, $0x0;
	v27 =	vld [tilespmem:$0xAB0]  }
0x8d: {  	v32 =	vld [tilespmem:$0xAC0];
	[tilespmem:s6+$0x180] =	vst v29;
	v29 =	vsel vm0, v20, v24;
	vm0 =	veq.s32 v41, $0x0  }
0x8e: {  	s25 =	sadd.s32 s21, s11;
	v43 =	vld [tilespmem:$0xA40];
	[tilespmem:s2+$0x180] =	vst v29;
	v29 =	vsel vm0, v18, v19;
	vm0 =	veq.s32 v26, $0x0  }
0x8f: {  	vm1 =	veq.s32 v31, $0x0;
	v26 =	vld [tilespmem:$0xA40];
	[tilespmem:s25+$0x0] =	vst v29;
	v29 =	vsel vm0, v34, v35  }
0x90: {  	s4 =	sadd.s32 s22, s11;
	vm0 =	veq.s32 v42, $0x0;
	v31 =	vsel vm1, v16, v17;
	v44 =	vld [tilespmem:$0xAB0];
	[tilespmem:s7+$0x200] =	vst v29  }
0x91: {  	v29 =	vsel vm0, v21, v23;
	[tilespmem:s4+$0x0] =	vst v31;
	vm0 =	veq.s32 v27, $0x0;
	v27 =	vld [tilespmem:$0xA50]  }
0x92: {  	s8 =	sadd.s32 s23, s20;
	s9 =	sadd.s32 $0x2200, s18;
	vm1 =	veq.s32 v32, $0x0;
	[tilespmem:s1+$0x180] =	vst v29;
	v31 =	vld [tilespmem:$0xAB0];
	v29 =	vsel vm0, v36, v37  }
0x93: {  	s10 =	sadd.s32 s17, s9;
	v32 =	vsel vm1, v28, v30;
	vm0 =	veq.s32 v43, $0x0;
	v45 =	vld [tilespmem:$0xA40];
	[tilespmem:s8+$0x0] =	vst v29  }
0x94: {  	[tilespmem:s10+$0x0] =	vst v32;
	v29 =	vsel vm0, v22, v25;
	vm0 =	veq.s32 v26, $0x0;
	v26 =	vld [tilespmem:$0xAC0]  }
0x95: {  	v32 =	vld [tilespmem:$0xAD0];
	[tilespmem:s6+$0x200] =	vst v29;
	v29 =	vsel vm0, v20, v24;
	vm0 =	veq.s32 v44, $0x0  }
0x96: {  	s11 =	sadd.s32 s21, s20;
	v46 =	vld [tilespmem:$0xA50];
	[tilespmem:s2+$0x200] =	vst v29;
	v29 =	vsel vm0, v18, v19;
	vm0 =	veq.s32 v27, $0x0  }
0x97: {  	vm1 =	veq.s32 v31, $0x0;
	v27 =	vld [tilespmem:$0xA50];
	[tilespmem:s11+$0x0] =	vst v29;
	v29 =	vsel vm0, v34, v35  }
0x98: {  	s3 =	sadd.s32 s22, s20;
	vm0 =	veq.s32 v45, $0x0;
	v31 =	vsel vm1, v16, v17;
	v47 =	vld [tilespmem:$0xAC0];
	[tilespmem:s7+$0x280] =	vst v29  }
0x99: {  	v29 =	vsel vm0, v21, v23;
	[tilespmem:s3+$0x0] =	vst v31;
	vm0 =	veq.s32 v26, $0x0;
	v26 =	vld [tilespmem:$0xA60]  }
0x9a: {  	s15 =	sadd.s32 s23, s9;
	s16 =	sadd.s32 $0x2280, s18;
	vm1 =	veq.s32 v32, $0x0;
	[tilespmem:s1+$0x200] =	vst v29;
	v31 =	vld [tilespmem:$0xAC0];
	v29 =	vsel vm0, v36, v37  }
0x9b: {  	s19 =	sadd.s32 s17, s16;
	v32 =	vsel vm1, v28, v30;
	vm0 =	veq.s32 v46, $0x0;
	v48 =	vld [tilespmem:$0xA50];
	[tilespmem:s15+$0x0] =	vst v29  }
0x9c: {  	[tilespmem:s19+$0x0] =	vst v32;
	v29 =	vsel vm0, v22, v25;
	vm0 =	veq.s32 v27, $0x0;
	v27 =	vld [tilespmem:$0xAD0]  }
0x9d: {  	v32 =	vld [tilespmem:$0xAE0];
	[tilespmem:s6+$0x280] =	vst v29;
	v29 =	vsel vm0, v20, v24;
	vm0 =	veq.s32 v47, $0x0  }
0x9e: {  	s20 =	sadd.s32 s21, s9;
	v49 =	vld [tilespmem:$0xA60];
	[tilespmem:s2+$0x280] =	vst v29;
	v29 =	vsel vm0, v18, v19;
	vm0 =	veq.s32 v26, $0x0  }
0x9f: {  	vm1 =	veq.s32 v31, $0x0;
	v26 =	vld [tilespmem:$0xA60];
	[tilespmem:s20+$0x0] =	vst v29;
	v29 =	vsel vm0, v34, v35  }
0xa0: {  	s4 =	sadd.s32 s22, s9;
	vm0 =	veq.s32 v48, $0x0;
	v31 =	vsel vm1, v16, v17;
	v50 =	vld [tilespmem:$0xAD0];
	[tilespmem:s7+$0x300] =	vst v29  }
0xa1: {  	v29 =	vsel vm0, v21, v23;
	[tilespmem:s4+$0x0] =	vst v31;
	vm0 =	veq.s32 v27, $0x0;
	v27 =	vld [tilespmem:$0xA70]  }
0xa2: {  	s24 =	sadd.s32 s23, s16;
	s8 =	sadd.s32 $0x2300, s18;
	vm1 =	veq.s32 v32, $0x0;
	[tilespmem:s1+$0x280] =	vst v29;
	v31 =	vld [tilespmem:$0xAD0];
	v29 =	vsel vm0, v36, v37  }
0xa3: {  	v42 =	vld [tilespmem:$0xA00];
	s25 =	sadd.s32 s17, s8;
	v32 =	vsel vm1, v28, v30;
	vm0 =	veq.s32 v49, $0x0;
	[tilespmem:s24+$0x0] =	vst v29  }
0xa4: {  	v51 =	vld [tilespmem:$0xA60];
	[tilespmem:s25+$0x0] =	vst v32;
	v29 =	vsel vm0, v22, v25;
	vm0 =	veq.s32 v26, $0x0  }
0xa5: {  	v26 =	vld [tilespmem:$0xAE0];
	[tilespmem:s6+$0x300] =	vst v29;
	v29 =	vsel vm0, v20, v24;
	vm0 =	veq.s32 v50, $0x0  }
0xa6: {  	s9 =	sadd.s32 s21, s16;
	v32 =	vld [tilespmem:$0xAF0];
	[tilespmem:s2+$0x300] =	vst v29;
	v29 =	vsel vm0, v18, v19;
	vm0 =	veq.s32 v27, $0x0  }
0xa7: {  	s11 =	simm.s32 $0x100;
	s20 =	simm.s32 $0x80;
	v52 =	vld [tilespmem:$0xA70];
	vm1 =	veq.s32 v31, $0x0;
	[tilespmem:s9+$0x0] =	vst v29;
	v27 =	vsel vm0, v34, v35  }
0xa8: {  	s3 =	sadd.s32 s22, s16;
	s16 =	sand.u32 $0xFFFFFF00, s11;
	s15 =	sand.u32 $0x40, s20;
	v31 =	vld [tilespmem:$0xA70];
	v29 =	vsel vm1, v16, v17;
	[tilespmem:s7+$0x380] =	vst v27  }
0xa9: {  	s4 =	sadd.s32 $0x200, s16;
	s16 =	sor.u32 $0x30, s15;
	vm0 =	veq.s32 v51, $0x0;
	[tilespmem:s3+$0x0] =	vst v29;
	v29 =	vld [tilespmem:$0xA80]  }
0xaa: {  	s19 =	sor.u32 s16, s4;
	v53 =	vld [tilespmem:$0xAE0];
	v27 =	vsel vm0, v21, v23  }
0xab: {  	[tilespmem:s1+$0x300] =	vst v27;
	v27 =	vld [tilespmem:s19+$0x80]  }
0xac: {  	s7 =	sadd.s32 $0x2380, s18;
	s18 =	sor.u32 $0x10, s15;
	v39 =	vld [tilespmem:$0xAE0]  }
0xad: {  	vm0 =	veq.s32 v26, $0x0;
	s11 =	sor.u32 s18, s4;
	v40 =	vld [tilespmem:$0xA70]  }
0xae: {  	s10 =	sadd.s32 s23, s8;
	s3 =	sadd.s32 $0x2000, s0;
	v26 =	vsel vm0, v36, v37;
	v33 =	vld [tilespmem:s11+$0x80];
	vm0 =	veq.s32 v29, $0x0  }
0xaf: {  	s9 =	sor.u32 s15, s4;
	s24 =	sadd.s32 s29, s3;
	[tilespmem:s10+$0x0] =	vst v26;
	v26 =	vld [tilespmem:s19+$0x0];
	v43 =	vsel vm0, v34, v35  }
0xb0: {  	v29 =	vld [tilespmem:s9+$0x0];
	vm0 =	veq.s32 v32, $0x0;
	[tilespmem:s24+$0x0] =	vst v43  }
0xb1: {  	s25 =	sadd.s32 s17, s7;
	s10 =	simm.s32 $0x400;
	v28 =	vsel vm0, v28, v30;
	vm0 =	veq.s32 v52, $0x0;
	v54 =	vld [tilespmem:$0xA90]  }
0xb2: {  	s24 =	sand.u32 $0x3FFFFC00, s10;
	[tilespmem:s25+$0x0] =	vst v28;
	v30 =	vsel vm0, v22, v25;
	vm0 =	veq.s32 v31, $0x0;
	v28 =	vld [tilespmem:s9+$0x80]  }
0xb3: {  	s17 =	sor.u32 $0x20, s15;
	v41 =	vld [tilespmem:$0xAF0];
	s19 =	sadd.s32 s24, s14;
	[tilespmem:s6+$0x380] =	vst v30;
	v30 =	vsel vm0, v20, v24;
	vm0 =	veq.s32 v42, $0x0  }
0xb4: {  	vm1 =	veq.s32 v53, $0x0;
	v32 =	vld [tilespmem:s11+$0x0];
	s25 =	sor.u32 s17, s4;
	s28 =	sadd.s32 s16, s19;
	[tilespmem:s2+$0x380] =	vst v30;
	v31 =	vsel vm0, v26, v27  }
0xb5: {  	v55 =	vsel vm1, v18, v19;
	vm1 =	veq.s32 v39, $0x0;
	s6 =	sadd.s32 s21, s8;
	v30 =	vld [tilespmem:s25+$0x0];
	[tilespmem:s28+$0x0] =	vst v31  }
0xb6: {  	s8 =	sadd.s32 s22, s8;
	[tilespmem:s6+$0x0] =	vst v55;
	v31 =	vsel vm1, v16, v17;
	v56 =	vld [tilespmem:$0xA10]  }
0xb7: {  	s6 =	sadd.s32 $0x2080, s0;
	[tilespmem:s8+$0x0] =	vst v31;
	v31 =	vld [tilespmem:s25+$0x80];
	s25 =	sadd.s32 s15, s19;
	vm1 =	veq.s32 v54, $0x0;
	v57 =	vsel vm0, v29, v28  }
0xb8: {  	v58 =	vld [tilespmem:$0xA80];
	s9 =	sadd.s32 s29, s6;
	v38 =	vsel vm1, v34, v35;
	[tilespmem:s25+$0x0] =	vst v57  }
0xb9: {  	s24 =	sadd.s32 s18, s19;
	v59 =	vsel vm0, v32, v33;
	vm1 =	veq.s32 v40, $0x0;
	[tilespmem:s9+$0x0] =	vst v38;
	v62 =	vld [tilespmem:$0xA10]  }
0xba: {  	[tilespmem:s24+$0x0] =	vst v59;
	v61 =	vsel vm1, v21, v23;
	vm1 =	veq.s32 v41, $0x0;
	v60 =	vld [tilespmem:$0xAA0]  }
0xbb: {  	s10 =	sadd.s32 s23, s7;
	v63 =	vld [tilespmem:$0xA10];
	[tilespmem:s1+$0x380] =	vst v61;
	v36 =	vsel vm1, v36, v37;
	vm1 =	veq.s32 v56, $0x0  }
0xbc: {  	v45 =	vld [tilespmem:$0xA80];
	[tilespmem:s10+$0x0] =	vst v36;
	v44 =	vsel vm1, v26, v27  }
0xbd: {  	s23 =	sadd.s32 s17, s19;
	v46 =	vsel vm0, v30, v31;
	vm0 =	veq.s32 v58, $0x0;
	v47 =	vld [tilespmem:$0xA80];
	[tilespmem:s28+$0x80] =	vst v44  }
0xbe: {  	s11 =	sadd.s32 s26, s3;
	[tilespmem:s23+$0x0] =	vst v46;
	v49 =	vsel vm0, v22, v25;
	v48 =	vld [tilespmem:$0xA20];
	vm1 =	veq.s32 v62, $0x0  }
0xbf: {  	s2 =	sadd.s32 $0x2100, s0;
	v50 =	vld [tilespmem:$0xA10];
	[tilespmem:s11+$0x0] =	vst v49;
	vm0 =	veq.s32 v60, $0x0;
	v51 =	vsel vm1, v29, v28  }
0xc0: {  	s4 =	sadd.s32 s29, s2;
	v52 =	vld [tilespmem:$0xA90];
	v40 =	vsel vm0, v34, v35;
	vm0 =	veq.s32 v63, $0x0;
	[tilespmem:s25+$0x80] =	vst v51  }
0xc1: {  	[tilespmem:s4+$0x0] =	vst v40;
	v53 =	vsel vm0, v32, v33;
	vm0 =	veq.s32 v45, $0x0;
	v42 =	vld [tilespmem:$0xA20]  }
0xc2: {  	s5 =	sadd.s32 s30, s3;
	v54 =	vld [tilespmem:$0xAB0];
	[tilespmem:s24+$0x80] =	vst v53;
	v55 =	vsel vm0, v20, v24;
	vm0 =	veq.s32 v47, $0x0  }
0xc3: {  	s3 =	sadd.s32 s31, s3;
	v56 =	vld [tilespmem:$0xA20];
	vm1 =	veq.s32 v48, $0x0;
	[tilespmem:s5+$0x0] =	vst v55;
	v57 =	vsel vm0, v21, v23  }
0xc4: {  	vm0 =	veq.s32 v50, $0x0;
	v58 =	vsel vm1, v26, v27;
	v59 =	vld [tilespmem:$0xA90];
	[tilespmem:s3+$0x0] =	vst v57  }
0xc5: {  	v60 =	vsel vm0, v30, v31;
	vm0 =	veq.s32 v52, $0x0;
	[tilespmem:s28+$0x100] =	vst v58;
	v61 =	vld [tilespmem:$0xA90]  }
0xc6: {  	s8 =	sadd.s32 s26, s6;
	[tilespmem:s23+$0x80] =	vst v60;
	v62 =	vsel vm0, v22, v25;
	v38 =	vld [tilespmem:$0xA30];
	vm1 =	veq.s32 v42, $0x0  }
0xc7: {  	s3 =	sadd.s32 $0x2180, s0;
	v63 =	vld [tilespmem:$0xA20];
	[tilespmem:s8+$0x0] =	vst v62;
	vm0 =	veq.s32 v54, $0x0;
	v42 =	vsel vm1, v29, v28  }
0xc8: {  	s9 =	sadd.s32 s29, s3;
	v46 =	vld [tilespmem:$0xAA0];
	v45 =	vsel vm0, v34, v35;
	vm0 =	veq.s32 v56, $0x0;
	[tilespmem:s25+$0x100] =	vst v42  }
0xc9: {  	[tilespmem:s9+$0x0] =	vst v45;
	v47 =	vsel vm0, v32, v33;
	vm0 =	veq.s32 v59, $0x0;
	v42 =	vld [tilespmem:$0xA30]  }
0xca: {  	s10 =	sadd.s32 s30, s6;
	v48 =	vld [tilespmem:$0xAC0];
	[tilespmem:s24+$0x100] =	vst v47;
	v49 =	vsel vm0, v20, v24;
	vm0 =	veq.s32 v61, $0x0  }
0xcb: {  	s11 =	sadd.s32 s31, s6;
	v50 =	vld [tilespmem:$0xA30];
	vm1 =	veq.s32 v38, $0x0;
	[tilespmem:s10+$0x0] =	vst v49;
	v51 =	vsel vm0, v21, v23  }
0xcc: {  	vm0 =	veq.s32 v63, $0x0;
	v52 =	vsel vm1, v26, v27;
	v40 =	vld [tilespmem:$0xAA0];
	[tilespmem:s11+$0x0] =	vst v51  }
0xcd: {  	v53 =	vsel vm0, v30, v31;
	vm0 =	veq.s32 v46, $0x0;
	[tilespmem:s28+$0x180] =	vst v52;
	v54 =	vld [tilespmem:$0xAA0]  }
0xce: {  	s5 =	sadd.s32 s26, s2;
	[tilespmem:s23+$0x100] =	vst v53;
	v56 =	vsel vm0, v22, v25;
	v55 =	vld [tilespmem:$0xA40];
	vm1 =	veq.s32 v42, $0x0  }
0xcf: {  	s1 =	sadd.s32 $0x2200, s0;
	v57 =	vld [tilespmem:$0xA30];
	[tilespmem:s5+$0x0] =	vst v56;
	vm0 =	veq.s32 v48, $0x0;
	v42 =	vsel vm1, v29, v28  }
0xd0: {  	s6 =	sadd.s32 s29, s1;
	v59 =	vld [tilespmem:$0xAB0];
	v58 =	vsel vm0, v34, v35;
	vm0 =	veq.s32 v50, $0x0;
	[tilespmem:s25+$0x180] =	vst v42  }
0xd1: {  	[tilespmem:s6+$0x0] =	vst v58;
	v60 =	vsel vm0, v32, v33;
	vm0 =	veq.s32 v40, $0x0;
	v42 =	vld [tilespmem:$0xA40]  }
0xd2: {  	s8 =	sadd.s32 s30, s2;
	v61 =	vld [tilespmem:$0xAD0];
	[tilespmem:s24+$0x180] =	vst v60;
	v62 =	vsel vm0, v20, v24;
	vm0 =	veq.s32 v54, $0x0  }
0xd3: {  	s2 =	sadd.s32 s31, s2;
	v63 =	vld [tilespmem:$0xA40];
	vm1 =	veq.s32 v55, $0x0;
	[tilespmem:s8+$0x0] =	vst v62;
	v45 =	vsel vm0, v21, v23  }
0xd4: {  	vm0 =	veq.s32 v57, $0x0;
	v46 =	vsel vm1, v26, v27;
	v47 =	vld [tilespmem:$0xAB0];
	[tilespmem:s2+$0x0] =	vst v45  }
0xd5: {  	v48 =	vsel vm0, v30, v31;
	vm0 =	veq.s32 v59, $0x0;
	[tilespmem:s28+$0x200] =	vst v46;
	v49 =	vld [tilespmem:$0xAB0]  }
0xd6: {  	s9 =	sadd.s32 s26, s3;
	[tilespmem:s23+$0x180] =	vst v48;
	v51 =	vsel vm0, v22, v25;
	v50 =	vld [tilespmem:$0xA50];
	vm1 =	veq.s32 v42, $0x0  }
0xd7: {  	s2 =	sadd.s32 $0x2280, s0;
	v52 =	vld [tilespmem:$0xA40];
	[tilespmem:s9+$0x0] =	vst v51;
	vm0 =	veq.s32 v61, $0x0;
	v42 =	vsel vm1, v29, v28  }
0xd8: {  	s10 =	sadd.s32 s29, s2;
	v54 =	vld [tilespmem:$0xAC0];
	v53 =	vsel vm0, v34, v35;
	vm0 =	veq.s32 v63, $0x0;
	[tilespmem:s25+$0x200] =	vst v42  }
0xd9: {  	[tilespmem:s10+$0x0] =	vst v53;
	v55 =	vsel vm0, v32, v33;
	vm0 =	veq.s32 v47, $0x0;
	v42 =	vld [tilespmem:$0xA50]  }
0xda: {  	s11 =	sadd.s32 s30, s3;
	v56 =	vld [tilespmem:$0xAE0];
	[tilespmem:s24+$0x200] =	vst v55;
	v57 =	vsel vm0, v20, v24;
	vm0 =	veq.s32 v49, $0x0  }
0xdb: {  	s3 =	sadd.s32 s31, s3;
	v58 =	vld [tilespmem:$0xA50];
	vm1 =	veq.s32 v50, $0x0;
	[tilespmem:s11+$0x0] =	vst v57;
	v59 =	vsel vm0, v21, v23  }
0xdc: {  	vm0 =	veq.s32 v52, $0x0;
	v60 =	vsel vm1, v26, v27;
	v61 =	vld [tilespmem:$0xAC0];
	[tilespmem:s3+$0x0] =	vst v59  }
0xdd: {  	v62 =	vsel vm0, v30, v31;
	vm0 =	veq.s32 v54, $0x0;
	[tilespmem:s28+$0x280] =	vst v60;
	v63 =	vld [tilespmem:$0xAC0]  }
0xde: {  	s3 =	sadd.s32 s26, s1;
	[tilespmem:s23+$0x200] =	vst v62;
	v46 =	vsel vm0, v22, v25;
	v45 =	vld [tilespmem:$0xA60];
	vm1 =	veq.s32 v42, $0x0  }
0xdf: {  	s5 =	sadd.s32 $0x2300, s0;
	v47 =	vld [tilespmem:$0xA50];
	[tilespmem:s3+$0x0] =	vst v46;
	vm0 =	veq.s32 v56, $0x0;
	v42 =	vsel vm1, v29, v28  }
0xe0: {  	s6 =	sadd.s32 s29, s5;
	v49 =	vld [tilespmem:$0xAD0];
	v48 =	vsel vm0, v34, v35;
	vm0 =	veq.s32 v58, $0x0;
	[tilespmem:s25+$0x280] =	vst v42  }
0xe1: {  	[tilespmem:s6+$0x0] =	vst v48;
	v50 =	vsel vm0, v32, v33;
	vm0 =	veq.s32 v61, $0x0;
	v42 =	vld [tilespmem:$0xA60]  }
0xe2: {  	s8 =	sadd.s32 s30, s1;
	v51 =	vld [tilespmem:$0xAF0];
	[tilespmem:s24+$0x280] =	vst v50;
	v52 =	vsel vm0, v20, v24;
	vm0 =	veq.s32 v63, $0x0  }
0xe3: {  	s1 =	sadd.s32 s31, s1;
	[tilespmem:s8+$0x0] =	vst v52;
	v53 =	vld [tilespmem:$0xA60];
	vm1 =	veq.s32 v45, $0x0;
	v54 =	vsel vm0, v21, v23  }
0xe4: {  	vm0 =	veq.s32 v47, $0x0;
	v55 =	vsel vm1, v26, v27;
	v56 =	vld [tilespmem:$0xAD0];
	[tilespmem:s1+$0x0] =	vst v54  }
0xe5: {  	v57 =	vsel vm0, v30, v31;
	vm0 =	veq.s32 v49, $0x0;
	[tilespmem:s28+$0x300] =	vst v55;
	v58 =	vld [tilespmem:$0xAD0]  }
0xe6: {  	s9 =	sadd.s32 s26, s2;
	[tilespmem:s23+$0x280] =	vst v57;
	v59 =	vsel vm0, v22, v25;
	v39 =	vld [tilespmem:$0xA70];
	vm1 =	veq.s32 v42, $0x0  }
0xe7: {  	s0 =	sadd.s32 $0x2380, s0;
	[tilespmem:s9+$0x0] =	vst v59;
	v60 =	vld [tilespmem:$0xA60];
	vm0 =	veq.s32 v51, $0x0;
	v61 =	vsel vm1, v29, v28  }
0xe8: {  	s10 =	sadd.s32 s29, s0;
	v35 =	vsel vm0, v34, v35;
	vm0 =	veq.s32 v53, $0x0;
	v34 =	vld [tilespmem:$0xAE0];
	[tilespmem:s25+$0x300] =	vst v61  }
0xe9: {  	s29 =	sadd.s32 s21, s7;
	s21 =	sadd.s32 s22, s7;
	[tilespmem:s10+$0x0] =	vst v35;
	v36 =	vsel vm0, v32, v33;
	vm0 =	veq.s32 v56, $0x0;
	v35 =	vld [tilespmem:$0xAF0]  }
0xea: {  	s22 =	sadd.s32 s31, s2;
	s7 =	sadd.s32 s30, s0;
	s11 =	sadd.s32 s30, s2;
	v38 =	vld [tilespmem:$0xA70];
	[tilespmem:s24+$0x300] =	vst v36;
	v62 =	vsel vm0, v20, v24;
	vm0 =	veq.s32 v58, $0x0  }
0xeb: {  	s2 =	sadd.s32 s31, s5;
	s6 =	sadd.s32 s30, s5;
	s8 =	sadd.s32 s26, s5;
	[tilespmem:s11+$0x0] =	vst v62;
	v37 =	vld [tilespmem:$0xA70];
	vm1 =	veq.s32 v39, $0x0;
	v63 =	vsel vm0, v21, v23  }
0xec: {  	s1 =	sadd.s32 s31, s0;
	s9 =	sadd.s32 s26, s0;
	s0 =	simm.s32 $0x8;
	vm0 =	veq.s32 v60, $0x0;
	[tilespmem:s22+$0x0] =	vst v63;
	v39 =	vsel vm1, v26, v27;
	v36 =	vld [tilespmem:$0xAE0]  }
.LBB2_3:
0xed: {  	s0 =	sadd.s32 $0x4, s0;
	v40 =	vsel vm0, v30, v31;
	[tilespmem:s28+$0x380] =	vst v39;
	vm0 =	veq.s32 v34, $0x0;
	v34 =	vld [tilespmem:$0xAE0]  }
0xee: {  	s5 =	sshll.u32 s0, $0x7;
	p0 =	slt.u32 s0, $0x3C;
	[tilespmem:s23+$0x300] =	vst v40;
	v39 =	vld [tilespmem:$0xA80];
	v40 =	vsel vm0, v22, v25;
	vm0 =	veq.s32 v35, $0x0  }
0xef: {  	s20 =	sadd.s32 $0x40, s20;
	s3 =	sshra.s32 s5, $0x2;
	vm1 =	veq.s32 v38, $0x0;
	v38 =	vld [tilespmem:$0xA70];
	[tilespmem:s8+$0x0] =	vst v40;
	v35 =	vsel vm0, v18, v19;
	v18 =	vmovc v20;
	v20 =	vmovc v32;
	v19 =	vmov v24  }
0xf0: {  	s22 =	sand.u32 $0x40, s20;
	v24 =	vmov v33;
	s3 =	sand.u32 $0xFFFFFF00, s3;
	v32 =	vsel vm1, v29, v28;
	vm0 =	veq.s32 v37, $0x0;
	v37 =	vld [tilespmem:$0xAF0];
	[tilespmem:s29+$0x0] =	vst v35;
	s29 =	smov.u32 s7  }
0xf1: {  	s26 =	sor.u32 $0x10, s22;
	s30 =	sor.u32 $0x30, s22;
	s3 =	sadd.s32 $0x200, s3;
	[tilespmem:s25+$0x380] =	vst v32;
	v32 =	vsel vm0, v20, v24;
	vm0 =	veq.s32 v36, $0x0;
	v33 =	vld [tilespmem:$0xAF0]  }
0xf2: {  	s31 =	sor.u32 $0x20, s22;
	s7 =	sor.u32 s22, s3;
	v36 =	vld [tilespmem:$0xA00];
	s4 =	sor.u32 s30, s3;
	[tilespmem:s24+$0x380] =	vst v32;
	v32 =	vsel vm0, v18, v19;
	vm0 =	veq.s32 v34, $0x0  }
0xf3: {  	s11 =	sadd.s32 $0x2000, s19;
	s8 =	sor.u32 s26, s3;
	s10 =	sor.u32 s31, s3;
	v34 =	vld [tilespmem:s4+$0x0];
	vm1 =	veq.s32 v39, $0x0;
	[tilespmem:s6+$0x0] =	vst v32;
	v32 =	vsel vm0, v21, v23  }
0xf4: {  	s3 =	sadd.s32 s18, s11;
	s6 =	sadd.s32 s16, s11;
	v35 =	vld [tilespmem:s4+$0x80];
	s4 =	sadd.s32 s15, s11;
	vm0 =	veq.s32 v38, $0x0;
	v38 =	vsel vm1, v26, v27;
	[tilespmem:s2+$0x0] =	vst v32  }
0xf5: {  	s2 =	sadd.s32 s17, s11;
	v39 =	vld [tilespmem:s7+$0x0];
	v32 =	vsel vm0, v30, v31;
	[tilespmem:s6+$0x0] =	vst v38;
	vm0 =	veq.s32 v37, $0x0  }
0xf6: {  	[tilespmem:s23+$0x380] =	vst v32;
	v37 =	vld [tilespmem:$0xA90];
	v32 =	vsel vm0, v22, v25;
	vm0 =	veq.s32 v33, $0x0;
	v22 =	vmovc v29;
	v25 =	vmov v28  }
0xf7: {  	s5 =	sand.u32 $0x3FFFFC00, s5;
	v28 =	vld [tilespmem:s7+$0x80];
	[tilespmem:s9+$0x0] =	vst v32;
	v29 =	vsel vm0, v16, v17;
	v16 =	vmovc v21;
	v21 =	vmovc v30;
	v17 =	vmov v23;
	v23 =	vmov v31  }
0xf8: {  	vm0 =	veq.s32 v36, $0x0;
	s9 =	sadd.s32 s5, s14;
	v32 =	vld [tilespmem:s8+$0x0];
	[tilespmem:s21+$0x0] =	vst v29;
	s21 =	smov.u32 s1  }
0xf9: {  	s25 =	sadd.s32 s22, s9;
	s24 =	sadd.s32 s26, s9;
	s28 =	sadd.s32 s30, s9;
	v33 =	vld [tilespmem:s8+$0x80];
	v31 =	vsel vm0, v34, v35  }
0xfa: {  	s23 =	sadd.s32 s31, s9;
	v30 =	vld [tilespmem:s10+$0x0];
	[tilespmem:s28+$0x0] =	vst v31;
	v29 =	vmov v39  }
0xfb: {  	s1 =	sadd.s32 $0x2080, s19;
	v36 =	vld [tilespmem:$0xA10];
	vm1 =	veq.s32 v37, $0x0  }
0xfc: {  	s5 =	sadd.s32 s15, s1;
	s6 =	sadd.s32 s16, s1;
	v37 =	vsel vm0, v29, v28;
	v31 =	vld [tilespmem:s10+$0x80];
	s10 =	sadd.s32 s18, s1;
	v38 =	vsel vm1, v26, v27  }
0xfd: {  	s7 =	sadd.s32 s17, s1;
	v39 =	vld [tilespmem:$0xA80];
	[tilespmem:s6+$0x0] =	vst v38  }
0xfe: {  	[tilespmem:s25+$0x0] =	vst v37;
	v37 =	vsel vm0, v32, v33;
	v38 =	vld [tilespmem:$0xAA0]  }
0xff: {  	v40 =	vld [tilespmem:$0xA10];
	[tilespmem:s24+$0x0] =	vst v37  }
0x100: {  	v37 =	vld [tilespmem:$0xA10];
	vm1 =	veq.s32 v36, $0x0  }
0x101: {  	v36 =	vsel vm0, v30, v31;
	v41 =	vsel vm1, v34, v35;
	v42 =	vld [tilespmem:$0xA80]  }
0x102: {  	[tilespmem:s28+$0x80] =	vst v41;
	vm0 =	veq.s32 v39, $0x0;
	v39 =	vld [tilespmem:$0xA80]  }
0x103: {  	s6 =	sadd.s32 $0x2100, s19;
	[tilespmem:s23+$0x0] =	vst v36;
	v36 =	vld [tilespmem:$0xA20];
	v41 =	vsel vm0, v22, v25;
	vm0 =	veq.s32 v38, $0x0  }
0x104: {  	s11 =	sadd.s32 s15, s6;
	s1 =	sadd.s32 s18, s6;
	vm1 =	veq.s32 v40, $0x0;
	v38 =	vld [tilespmem:$0xA10];
	[tilespmem:s4+$0x0] =	vst v41;
	v40 =	vsel vm0, v26, v27;
	s4 =	sadd.s32 s16, s6  }
0x105: {  	s6 =	sadd.s32 s17, s6;
	v41 =	vsel vm1, v29, v28;
	vm0 =	veq.s32 v37, $0x0;
	v37 =	vld [tilespmem:$0xA90];
	[tilespmem:s4+$0x0] =	vst v40  }
0x106: {  	[tilespmem:s25+$0x80] =	vst v41;
	v40 =	vsel vm0, v32, v33;
	vm0 =	veq.s32 v42, $0x0;
	v41 =	vld [tilespmem:$0xAB0]  }
0x107: {  	v42 =	vld [tilespmem:$0xA20];
	[tilespmem:s24+$0x80] =	vst v40;
	v40 =	vsel vm0, v20, v24;
	vm0 =	veq.s32 v39, $0x0  }
0x108: {  	v39 =	vld [tilespmem:$0xA20];
	vm1 =	veq.s32 v36, $0x0;
	[tilespmem:s3+$0x0] =	vst v40;
	v36 =	vsel vm0, v21, v23  }
0x109: {  	vm0 =	veq.s32 v38, $0x0;
	v38 =	vsel vm1, v34, v35;
	v40 =	vld [tilespmem:$0xA90];
	[tilespmem:s2+$0x0] =	vst v36  }
0x10a: {  	v36 =	vsel vm0, v30, v31;
	[tilespmem:s28+$0x100] =	vst v38;
	vm0 =	veq.s32 v37, $0x0;
	v37 =	vld [tilespmem:$0xA90]  }
0x10b: {  	s3 =	sadd.s32 $0x2180, s19;
	[tilespmem:s23+$0x80] =	vst v36;
	v36 =	vld [tilespmem:$0xA30];
	v38 =	vsel vm0, v22, v25;
	vm0 =	veq.s32 v41, $0x0  }
0x10c: {  	s4 =	sadd.s32 s15, s3;
	s2 =	sadd.s32 s18, s3;
	vm1 =	veq.s32 v42, $0x0;
	v41 =	vld [tilespmem:$0xA20];
	[tilespmem:s5+$0x0] =	vst v38;
	v38 =	vsel vm0, v26, v27;
	s5 =	sadd.s32 s16, s3  }
0x10d: {  	s8 =	sadd.s32 s17, s3;
	v42 =	vsel vm1, v29, v28;
	vm0 =	veq.s32 v39, $0x0;
	v39 =	vld [tilespmem:$0xAA0];
	[tilespmem:s5+$0x0] =	vst v38  }
0x10e: {  	[tilespmem:s25+$0x100] =	vst v42;
	v38 =	vsel vm0, v32, v33;
	vm0 =	veq.s32 v40, $0x0;
	v40 =	vld [tilespmem:$0xAC0]  }
0x10f: {  	v42 =	vld [tilespmem:$0xA30];
	[tilespmem:s24+$0x100] =	vst v38;
	v38 =	vsel vm0, v20, v24;
	vm0 =	veq.s32 v37, $0x0  }
0x110: {  	v37 =	vld [tilespmem:$0xA30];
	vm1 =	veq.s32 v36, $0x0;
	[tilespmem:s10+$0x0] =	vst v38;
	v36 =	vsel vm0, v21, v23  }
0x111: {  	vm0 =	veq.s32 v41, $0x0;
	v38 =	vsel vm1, v34, v35;
	v41 =	vld [tilespmem:$0xAA0];
	[tilespmem:s7+$0x0] =	vst v36  }
0x112: {  	v36 =	vsel vm0, v30, v31;
	[tilespmem:s28+$0x180] =	vst v38;
	vm0 =	veq.s32 v39, $0x0;
	v38 =	vld [tilespmem:$0xAA0]  }
0x113: {  	s3 =	sadd.s32 $0x2200, s19;
	[tilespmem:s23+$0x100] =	vst v36;
	v36 =	vld [tilespmem:$0xA40];
	v39 =	vsel vm0, v22, v25;
	vm0 =	veq.s32 v40, $0x0  }
0x114: {  	s5 =	sadd.s32 s15, s3;
	s10 =	sadd.s32 s16, s3;
	s7 =	sadd.s32 s18, s3;
	vm1 =	veq.s32 v42, $0x0;
	v40 =	vld [tilespmem:$0xA30];
	[tilespmem:s11+$0x0] =	vst v39;
	v39 =	vsel vm0, v26, v27  }
0x115: {  	s3 =	sadd.s32 s17, s3;
	v42 =	vsel vm1, v29, v28;
	vm0 =	veq.s32 v37, $0x0;
	v37 =	vld [tilespmem:$0xAB0];
	[tilespmem:s10+$0x0] =	vst v39  }
0x116: {  	[tilespmem:s25+$0x180] =	vst v42;
	v39 =	vsel vm0, v32, v33;
	vm0 =	veq.s32 v41, $0x0;
	v41 =	vld [tilespmem:$0xAD0]  }
0x117: {  	v42 =	vld [tilespmem:$0xA40];
	[tilespmem:s24+$0x180] =	vst v39;
	v39 =	vsel vm0, v20, v24;
	vm0 =	veq.s32 v38, $0x0  }
0x118: {  	v38 =	vld [tilespmem:$0xA40];
	vm1 =	veq.s32 v36, $0x0;
	[tilespmem:s1+$0x0] =	vst v39;
	v36 =	vsel vm0, v21, v23  }
0x119: {  	vm0 =	veq.s32 v40, $0x0;
	v39 =	vsel vm1, v34, v35;
	v40 =	vld [tilespmem:$0xAB0];
	[tilespmem:s6+$0x0] =	vst v36  }
0x11a: {  	v36 =	vsel vm0, v30, v31;
	[tilespmem:s28+$0x200] =	vst v39;
	vm0 =	veq.s32 v37, $0x0;
	v37 =	vld [tilespmem:$0xAB0]  }
0x11b: {  	s6 =	sadd.s32 $0x2280, s19;
	[tilespmem:s23+$0x180] =	vst v36;
	v36 =	vld [tilespmem:$0xA50];
	v39 =	vsel vm0, v22, v25;
	vm0 =	veq.s32 v41, $0x0  }
0x11c: {  	s1 =	sadd.s32 s15, s6;
	s10 =	sadd.s32 s18, s6;
	vm1 =	veq.s32 v42, $0x0;
	v41 =	vld [tilespmem:$0xA40];
	[tilespmem:s4+$0x0] =	vst v39;
	v39 =	vsel vm0, v26, v27;
	s4 =	sadd.s32 s16, s6  }
0x11d: {  	s11 =	sadd.s32 s17, s6;
	v42 =	vsel vm1, v29, v28;
	vm0 =	veq.s32 v38, $0x0;
	v38 =	vld [tilespmem:$0xAC0];
	[tilespmem:s4+$0x0] =	vst v39  }
0x11e: {  	[tilespmem:s25+$0x200] =	vst v42;
	v39 =	vsel vm0, v32, v33;
	vm0 =	veq.s32 v40, $0x0;
	v40 =	vld [tilespmem:$0xAE0]  }
0x11f: {  	v42 =	vld [tilespmem:$0xA50];
	[tilespmem:s24+$0x200] =	vst v39;
	v39 =	vsel vm0, v20, v24;
	vm0 =	veq.s32 v37, $0x0  }
0x120: {  	v37 =	vld [tilespmem:$0xA50];
	vm1 =	veq.s32 v36, $0x0;
	[tilespmem:s2+$0x0] =	vst v39;
	v36 =	vsel vm0, v21, v23  }
0x121: {  	vm0 =	veq.s32 v41, $0x0;
	v39 =	vsel vm1, v34, v35;
	v41 =	vld [tilespmem:$0xAC0];
	[tilespmem:s8+$0x0] =	vst v36  }
0x122: {  	v36 =	vsel vm0, v30, v31;
	[tilespmem:s28+$0x280] =	vst v39;
	vm0 =	veq.s32 v38, $0x0;
	v38 =	vld [tilespmem:$0xAC0]  }
0x123: {  	s2 =	sadd.s32 $0x2300, s19;
	[tilespmem:s23+$0x200] =	vst v36;
	v36 =	vld [tilespmem:$0xA60];
	v39 =	vsel vm0, v22, v25;
	vm0 =	veq.s32 v40, $0x0  }
0x124: {  	s8 =	sadd.s32 s15, s2;
	s6 =	sadd.s32 s18, s2;
	s4 =	sadd.s32 s16, s2;
	vm1 =	veq.s32 v42, $0x0;
	v40 =	vld [tilespmem:$0xA50];
	[tilespmem:s5+$0x0] =	vst v39;
	v39 =	vsel vm0, v26, v27  }
0x125: {  	s2 =	sadd.s32 s17, s2;
	v42 =	vsel vm1, v29, v28;
	vm0 =	veq.s32 v37, $0x0;
	v37 =	vld [tilespmem:$0xAD0];
	[tilespmem:s4+$0x0] =	vst v39  }
0x126: {  	[tilespmem:s25+$0x280] =	vst v42;
	v39 =	vsel vm0, v32, v33;
	vm0 =	veq.s32 v41, $0x0;
	v41 =	vld [tilespmem:$0xAF0]  }
0x127: {  	v42 =	vld [tilespmem:$0xA60];
	[tilespmem:s24+$0x280] =	vst v39;
	v39 =	vsel vm0, v20, v24;
	vm0 =	veq.s32 v38, $0x0  }
0x128: {  	v38 =	vld [tilespmem:$0xA60];
	vm1 =	veq.s32 v36, $0x0;
	[tilespmem:s7+$0x0] =	vst v39;
	v36 =	vsel vm0, v21, v23  }
0x129: {  	vm0 =	veq.s32 v40, $0x0;
	v39 =	vsel vm1, v34, v35;
	v40 =	vld [tilespmem:$0xAD0];
	[tilespmem:s3+$0x0] =	vst v36  }
0x12a: {  	v36 =	vsel vm0, v30, v31;
	[tilespmem:s28+$0x300] =	vst v39;
	vm0 =	veq.s32 v37, $0x0;
	v37 =	vld [tilespmem:$0xAD0]  }
0x12b: {  	s3 =	sadd.s32 $0x2380, s19;
	s19 =	smov.u32 s9;
	[tilespmem:s23+$0x280] =	vst v36;
	v36 =	vld [tilespmem:$0xA70];
	v39 =	vsel vm0, v22, v25;
	vm0 =	veq.s32 v41, $0x0  }
0x12c: {  	s9 =	sadd.s32 s15, s3;
	s7 =	sadd.s32 s18, s3;
	s4 =	sadd.s32 s16, s3;
	vm1 =	veq.s32 v42, $0x0;
	v41 =	vld [tilespmem:$0xA60];
	[tilespmem:s1+$0x0] =	vst v39;
	v39 =	vsel vm0, v26, v27;
	v26 =	vmovc v34;
	v27 =	vmov v35  }
.Ltmp0:
0x12d: {  	s15 =	smov.u32 s22;
	s1 =	sadd.s32 s17, s3;
	v35 =	vsel vm1, v29, v28;
	vm0 =	veq.s32 v38, $0x0;
	v34 =	vld [tilespmem:$0xAE0];
	[tilespmem:s4+$0x0] =	vst v39;
	(pc) =	sbr.rel @p0 .LBB2_3-.Ltmp0, $4  }
0x12e: {  	s18 =	smov.u32 s26;
	s16 =	smov.u32 s30;
	s17 =	smov.u32 s31;
	[tilespmem:s25+$0x300] =	vst v35;
	v39 =	vsel vm0, v32, v33;
	vm0 =	veq.s32 v40, $0x0;
	v35 =	vld [tilespmem:$0xAF0]  }
0x12f: {  	v38 =	vld [tilespmem:$0xA70];
	[tilespmem:s24+$0x300] =	vst v39;
	v39 =	vsel vm0, v20, v24;
	vm0 =	veq.s32 v37, $0x0  }
0x130: {  	v37 =	vld [tilespmem:$0xA70];
	vm1 =	veq.s32 v36, $0x0;
	[tilespmem:s10+$0x0] =	vst v39;
	v40 =	vsel vm0, v21, v23  }
0x131: {  	vm0 =	veq.s32 v41, $0x0;
	v39 =	vsel vm1, v26, v27;
	v36 =	vld [tilespmem:$0xAE0];
	[tilespmem:s11+$0x0] =	vst v40  }
0x132: {  	v40 =	vsel vm0, v30, v31  }
0x133: {  	[tilespmem:s23+$0x300] =	vst v40  }
0x134: {  	[tilespmem:s28+$0x380] =	vst v39;
	v40 =	vld [tilespmem:$0xA70];
	vm10 =	veq.s32 v38, $0x0  }
0x135: {  	v55 =	vld [tilespmem:$0xA80];
	v56 =	vsel vm10, v29, v28  }
0x136: {  	[tilespmem:s25+$0x380] =	vst v56  }
0x137: {  	v39 =	vld [tilespmem:$0xA80]  }
0x138: {  	vm11 =	veq.s32 v37, $0x0  }
0x139: {  	v37 =	vsel vm11, v32, v33;
	vm12 =	veq.s32 v40, $0x0  }
0x13a: {  	s0 =	sadd.s32 $0x2000, s19;
	[tilespmem:s24+$0x380] =	vst v37;
	vm13 =	veq.s32 v55, $0x0;
	v57 =	vsel vm12, v30, v31  }
0x13b: {  	s3 =	sadd.s32 s16, s0;
	v58 =	vld [tilespmem:$0xA80];
	v60 =	vsel vm13, v26, v27;
	[tilespmem:s23+$0x380] =	vst v57  }
0x13c: {  	[tilespmem:s3+$0x0] =	vst v60;
	v59 =	vld [tilespmem:$0xA80];
	vm14 =	veq.s32 v39, $0x0  }
0x13d: {  	s25 =	sadd.s32 s15, s0;
	v61 =	vld [tilespmem:$0xA90];
	v62 =	vsel vm14, v29, v28  }
0x13e: {  	[tilespmem:s25+$0x0] =	vst v62  }
0x13f: {  	v63 =	vld [tilespmem:$0xA90]  }
0x140: {  	vm15 =	veq.s32 v58, $0x0  }
0x141: {  	s26 =	sadd.s32 s18, s0;
	v44 =	vsel vm15, v32, v33;
	vm4 =	veq.s32 v59, $0x0  }
0x142: {  	s28 =	sadd.s32 $0x2080, s19;
	s0 =	sadd.s32 s17, s0;
	[tilespmem:s26+$0x0] =	vst v44;
	vm5 =	veq.s32 v61, $0x0;
	v38 =	vsel vm4, v30, v31  }
0x143: {  	s30 =	sadd.s32 s16, s28;
	v40 =	vld [tilespmem:$0xA90];
	v39 =	vsel vm5, v26, v27;
	[tilespmem:s0+$0x0] =	vst v38  }
0x144: {  	[tilespmem:s30+$0x0] =	vst v39;
	v38 =	vld [tilespmem:$0xA90];
	vm6 =	veq.s32 v63, $0x0  }
0x145: {  	s31 =	sadd.s32 s15, s28;
	v45 =	vld [tilespmem:$0xAA0];
	v46 =	vsel vm6, v29, v28  }
0x146: {  	[tilespmem:s31+$0x0] =	vst v46  }
0x147: {  	v39 =	vld [tilespmem:$0xAA0]  }
0x148: {  	vm7 =	veq.s32 v40, $0x0  }
0x149: {  	s4 =	sadd.s32 s18, s28;
	v40 =	vsel vm7, v32, v33;
	vm8 =	veq.s32 v38, $0x0  }
0x14a: {  	s5 =	sadd.s32 $0x2100, s19;
	s0 =	sadd.s32 s17, s28;
	[tilespmem:s4+$0x0] =	vst v40;
	vm9 =	veq.s32 v45, $0x0;
	v38 =	vsel vm8, v30, v31  }
0x14b: {  	s10 =	sadd.s32 s16, s5;
	v40 =	vld [tilespmem:$0xAA0];
	v48 =	vsel vm9, v26, v27;
	[tilespmem:s0+$0x0] =	vst v38  }
0x14c: {  	[tilespmem:s10+$0x0] =	vst v48;
	v47 =	vld [tilespmem:$0xAA0];
	vm10 =	veq.s32 v39, $0x0  }
0x14d: {  	s11 =	sadd.s32 s15, s5;
	v38 =	vld [tilespmem:$0xAB0];
	v39 =	vsel vm10, v29, v28  }
0x14e: {  	[tilespmem:s11+$0x0] =	vst v39  }
0x14f: {  	v39 =	vld [tilespmem:$0xAB0]  }
0x150: {  	vm11 =	veq.s32 v40, $0x0  }
0x151: {  	s20 =	sadd.s32 s18, s5;
	v40 =	vsel vm11, v32, v33;
	vm12 =	veq.s32 v47, $0x0  }
0x152: {  	s22 =	sadd.s32 $0x2180, s19;
	s0 =	sadd.s32 s17, s5;
	[tilespmem:s20+$0x0] =	vst v40;
	vm13 =	veq.s32 v38, $0x0;
	v37 =	vsel vm12, v30, v31  }
0x153: {  	s23 =	sadd.s32 s16, s22;
	v40 =	vld [tilespmem:$0xAB0];
	v38 =	vsel vm13, v26, v27;
	[tilespmem:s0+$0x0] =	vst v37  }
0x154: {  	[tilespmem:s23+$0x0] =	vst v38;
	v37 =	vld [tilespmem:$0xAB0];
	vm14 =	veq.s32 v39, $0x0  }
0x155: {  	s24 =	sadd.s32 s15, s22;
	v38 =	vld [tilespmem:$0xAC0];
	v39 =	vsel vm14, v29, v28  }
0x156: {  	[tilespmem:s24+$0x0] =	vst v39  }
0x157: {  	v39 =	vld [tilespmem:$0xAC0]  }
0x158: {  	vm15 =	veq.s32 v40, $0x0  }
0x159: {  	s25 =	sadd.s32 s18, s22;
	v40 =	vsel vm15, v32, v33;
	vm4 =	veq.s32 v37, $0x0  }
0x15a: {  	s26 =	sadd.s32 $0x2200, s19;
	s0 =	sadd.s32 s17, s22;
	[tilespmem:s25+$0x0] =	vst v40;
	vm5 =	veq.s32 v38, $0x0;
	v37 =	vsel vm4, v30, v31  }
0x15b: {  	s28 =	sadd.s32 s16, s26;
	v40 =	vld [tilespmem:$0xAC0];
	v38 =	vsel vm5, v26, v27;
	[tilespmem:s0+$0x0] =	vst v37  }
0x15c: {  	[tilespmem:s28+$0x0] =	vst v38;
	v37 =	vld [tilespmem:$0xAC0];
	vm6 =	veq.s32 v39, $0x0  }
0x15d: {  	s30 =	sadd.s32 s15, s26;
	v38 =	vld [tilespmem:$0xAD0];
	v39 =	vsel vm6, v29, v28  }
0x15e: {  	[tilespmem:s30+$0x0] =	vst v39  }
0x15f: {  	v39 =	vld [tilespmem:$0xAD0]  }
0x160: {  	vm7 =	veq.s32 v40, $0x0  }
0x161: {  	s31 =	sadd.s32 s18, s26;
	v40 =	vsel vm7, v32, v33;
	vm8 =	veq.s32 v37, $0x0  }
0x162: {  	s4 =	sadd.s32 $0x2280, s19;
	s0 =	sadd.s32 s17, s26;
	[tilespmem:s31+$0x0] =	vst v40;
	vm9 =	veq.s32 v38, $0x0;
	v37 =	vsel vm8, v30, v31  }
0x163: {  	s5 =	sadd.s32 s16, s4;
	v40 =	vld [tilespmem:$0xAD0];
	v38 =	vsel vm9, v26, v27;
	[tilespmem:s0+$0x0] =	vst v37  }
0x164: {  	[tilespmem:s5+$0x0] =	vst v38;
	v37 =	vld [tilespmem:$0xAD0];
	vm10 =	veq.s32 v39, $0x0  }
0x165: {  	s10 =	sadd.s32 s15, s4;
	v38 =	vld [tilespmem:$0xAE0];
	v39 =	vsel vm10, v29, v28  }
0x166: {  	vm1 =	veq.s32 v34, $0x0;
	[tilespmem:s10+$0x0] =	vst v39  }
0x167: {  	v50 =	vsel vm1, v22, v25;
	vm13 =	veq.s32 v35, $0x0;
	v39 =	vld [tilespmem:$0xAE0]  }
0x168: {  	v49 =	vld [tilespmem:$0xAE0];
	[tilespmem:s8+$0x0] =	vst v50;
	v18 =	vsel vm13, v18, v19;
	vm11 =	veq.s32 v40, $0x0  }
0x169: {  	v55 =	vld [tilespmem:$0xAF0];
	s11 =	sadd.s32 s18, s4;
	[tilespmem:s29+$0x0] =	vst v18;
	v40 =	vsel vm11, v32, v33;
	vm12 =	veq.s32 v37, $0x0  }
0x16a: {  	v53 =	vld [tilespmem:$0xAF0];
	s20 =	sadd.s32 $0x2300, s19;
	s0 =	sadd.s32 s17, s4;
	[tilespmem:s11+$0x0] =	vst v40;
	vm14 =	veq.s32 v38, $0x0;
	v37 =	vsel vm12, v30, v31  }
0x16b: {  	s22 =	sadd.s32 s16, s20;
	vm15 =	veq.s32 v36, $0x0;
	v51 =	vld [tilespmem:$0xAE0];
	v54 =	vsel vm14, v26, v27;
	[tilespmem:s0+$0x0] =	vst v37  }
0x16c: {  	v56 =	vsel vm15, v20, v24;
	[tilespmem:s22+$0x0] =	vst v54;
	v52 =	vld [tilespmem:$0xAE0];
	vm4 =	veq.s32 v39, $0x0  }
0x16d: {  	s23 =	sadd.s32 s15, s20;
	[tilespmem:s6+$0x0] =	vst v56;
	vm5 =	veq.s32 v49, $0x0;
	v18 =	vld [tilespmem:$0xAF0];
	v57 =	vsel vm4, v29, v28  }
0x16e: {  	v59 =	vld [tilespmem:$0xAF0];
	v58 =	vsel vm5, v21, v23;
	vm9 =	veq.s32 v55, $0x0;
	[tilespmem:s23+$0x0] =	vst v57  }
0x16f: {  	[tilespmem:s2+$0x0] =	vst v58;
	vm8 =	veq.s32 v53, $0x0;
	v16 =	vsel vm9, v16, v17;
	v34 =	vld [tilespmem:$0xAF0]  }
0x170: {  	v60 =	vld [tilespmem:$0xAF0];
	v62 =	vsel vm8, v22, v25;
	[tilespmem:s21+$0x0] =	vst v16;
	vm6 =	veq.s32 v51, $0x0  }
0x171: {  	s24 =	sadd.s32 s18, s20;
	[tilespmem:s9+$0x0] =	vst v62;
	v35 =	vsel vm6, v32, v33;
	vm7 =	veq.s32 v52, $0x0  }
0x172: {  	s25 =	sadd.s32 $0x2380, s19;
	s0 =	sadd.s32 s17, s20;
	[tilespmem:s24+$0x0] =	vst v35;
	vm10 =	veq.s32 v18, $0x0;
	v61 =	vsel vm7, v30, v31  }
0x173: {  	s26 =	sadd.s32 s16, s25;
	vm11 =	veq.s32 v59, $0x0;
	v63 =	vld [tilespmem:$0xAF0];
	v16 =	vsel vm10, v26, v27;
	[tilespmem:s0+$0x0] =	vst v61  }
0x174: {  	[tilespmem:s26+$0x0] =	vst v16;
	v16 =	vsel vm11, v20, v24;
	v17 =	vld [tilespmem:$0xAF0];
	vm12 =	veq.s32 v34, $0x0  }
0x175: {  	s28 =	sadd.s32 s15, s25;
	vm13 =	veq.s32 v60, $0x0;
	[tilespmem:s7+$0x0] =	vst v16;
	v16 =	vsel vm12, v29, v28  }
0x176: {  	s12 =	sadd.s32 $0x1, s12;
	[tilespmem:s28+$0x0] =	vst v16;
	v16 =	vsel vm13, v21, v23  }
0x177: {  	p0 =	sne.s32 s12, $0x20;
	[tilespmem:s1+$0x0] =	vst v16  }
.Ltmp1:
0x178: {  	vm14 =	veq.s32 v63, $0x0;
	s1 =	rddreg [dreg:$0x4];
	(pc) =	sbr.rel @p0 .LBB2_2-.Ltmp1, $4  }
0x179: {  	s29 =	sadd.s32 s18, s25;
	v16 =	vsel vm14, v32, v33;
	vm15 =	veq.s32 v17, $0x0;
	s1 =	sadd.s32 s1, s13  }
0x17a: {  	s30 =	rddreg [dreg:$0x2];
	s0 =	sadd.s32 s17, s25;
	[tilespmem:s29+$0x0] =	vst v16;
	v16 =	vsel vm15, v30, v31;
	s1 =	sshll.u32 s1, $0x7  }
0x17b: {  	s31 =	simm.s32 $0x0;
	[tilespmem:s0+$0x0] =	vst v16;
	s0 =	sadd.s32 s30, s1  }
0x17c: {  	[hbm4b:s0+s31] =	stream.linear.scatter [tilespmem:s14], [sflag:$0x1], $0x4000, $0x38;
	[tilespmem:$0x8B00] =	vst v63  }
0x17d: {  	s1 =	simm.s32 $0x1  }
0x17e: {  	_ =	swait.ge [sflag:s1], $0x4000  }
0x17f: {  	[sflag:s1] =	ssyncset.done $0x0  }
0x180: {  	[sflag:s1] =	ssyncadd.s32 $0xFFFFC000  }
0x181: {  	_ =	swait.ge [sflag:s1], $0x4000  }
0x182: {  	s2 =	rddreg [dreg:$0x7]  }
0x183: {  	s0 =	rddreg [dreg:$0x6];
	s2 =	sadd.s32 $0x1, s2  }
0x184: {  	p0 =	sne.s32 s2, s0  }
.Ltmp2:
0x185: {  	_ = 	snop;
	(pc) =	sbr.rel @p0 .LBB2_1-.Ltmp2, $3  }
0x186: {  	_ =	sdelay $0x1  }
0x187: {  	[sflag:s1] =	ssyncset.done $0x0  }
0x188: {  	[sflag:s1] =	ssyncadd.s32 $0xFFFFC000  }
0x189: {  	_ =	sfence.sel $0x180000  }
0x18a: {  	[bflag:$0x0] =	sbarrier.arrive $0xFFFF  }
0x18b: {  	_ =	strace $0x90000047  }
0x18c: {  	s0 =	stileid.u32;
	[bflag:$0x2] =	sbarrier.arrive $0xFFFF  }
0x18d: {  	p0 =	sne.s32 s0, $0x0;
	s0 =	rddreg [dreg:$0x3]  }
0x18e: {  	s0 =	sadd.s32 @!p0 $0x100000, s0  }
0x18f: {  	[sflag:s0] =	ssyncadd.tile.s32 @!p0 $0x1;
	_ =	shalt  }
.Lfunc_end2:
_tile_overlayer_lowered:
.L_overlay_start_2:
0x190: {  	(tag) =	ssettag $0x2  }
0x191: {  	s0 =	rddreg [dreg:$0x0];
	s2 =	stileid.u32  }
0x192: {  	s1 =	rddreg [dreg:$0x1];
	p0 =	sne.s32 s2, $0x0  }
0x193: {  	s3 =	rddreg [dreg:$0x2];
	[bflag:$0x3] =	sbarrier.arrive $0xFFFF;
	s2 =	simm.s32 @!p0 $0x1C02  }
0x194: {  	[timem:s3], [sflag:s2] =	dma.local @!p0 [hbm:s0], s1  }
0x195: {  	s0 =	simm.s32 @!p0 $0x2  }
0x196: {  	_ =	swait.ge @!p0 [sflag:s0], s1  }
0x197: {  	s1 =	ssub.s32 @!p0 $0x0, s1;
	[sflag:s0] =	ssyncset.done @!p0 $0x0  }
0x198: {  	[sflag:s0] =	ssyncadd.s32 @!p0 s1  }
0x199: {  	[bflag:$0x3] =	sbarrier.arrive $0xFFFF  }
0x19a: {  	_ =	shalt  }

</sc_bundles>
